<compile_context>
chip_gen: v7x
topology: tpu7x:2x2x1
jax: 0.10.2.dev20260603
libtpu: 0.0.44.dev20260713+nightly
codegen_flags: <defaults>
</compile_context>

<pallas_src>
import functools

import jax
import jax.numpy as jnp
from jax import lax
from jax.experimental import pallas as pl
from jax.experimental.pallas import tpu as pltpu
from jax.experimental.pallas import tpu_sc as plsc

_R = 4096
_C = 200
_D = 64
_NW = 32
_RPW = _R // _NW
_G = 4
_NGRP = _RPW // _G
_NIT = _NGRP // 2
_SPLITS = ((0, 128), (128, 72))

_mesh = plsc.VectorSubcoreMesh(core_axis_name="c", subcore_axis_name="s")


@functools.partial(
    pl.kernel,
    mesh=_mesh,
    out_type=jax.ShapeDtypeStruct((_R, _C, _D), jnp.float32),
    scratch_types=[
        pltpu.VMEM((2 * _G, _C), jnp.int32),
        pltpu.VMEM((_G, _C, _D), jnp.float32),
        pltpu.VMEM((_G, _C, _D), jnp.float32),
        pltpu.SemaphoreType.DMA,
        pltpu.SemaphoreType.DMA,
        pltpu.SemaphoreType.DMA,
    ],
    compiler_params=pltpu.CompilerParams(use_tc_tiling_on_sc=False),
)
def _gather_kernel(x_hbm, w_hbm, out_hbm, idx_v, rows0_v, rows1_v,
                   gsem, wsem0, wsem1):
    wid = lax.axis_index("s") * 2 + lax.axis_index("c")
    row0 = wid * _RPW

    def fire(iofs, rows_v):
        copies = []
        for g in range(_G):
            for (lo, n) in _SPLITS:
                copies.append(pltpu.async_copy(
                    w_hbm.at[idx_v.at[iofs + g, pl.ds(lo, n)]],
                    rows_v.at[g, pl.ds(lo, n)],
                    gsem,
                ))
        return copies

    def body(i, carry):
        r_a = row0 + 2 * i * _G
        pltpu.sync_copy(x_hbm.at[pl.ds(r_a, 2 * _G)], idx_v)
        @pl.when(i > 0)
        def _():
            pltpu.make_async_copy(
                rows0_v, out_hbm.at[pl.ds(0, _G)], wsem0).wait()
        ca = fire(0, rows0_v)
        @pl.when(i > 0)
        def _():
            pltpu.make_async_copy(
                rows1_v, out_hbm.at[pl.ds(0, _G)], wsem1).wait()
        for c in ca:
            c.wait()
        pltpu.async_copy(rows0_v, out_hbm.at[pl.ds(r_a, _G)], wsem0)
        cb = fire(_G, rows1_v)
        for c in cb:
            c.wait()
        pltpu.async_copy(rows1_v, out_hbm.at[pl.ds(r_a + _G, _G)], wsem1)
        return carry

    lax.fori_loop(0, _NIT, body, 0)
    pltpu.make_async_copy(rows0_v, out_hbm.at[pl.ds(0, _G)], wsem0).wait()
    pltpu.make_async_copy(rows1_v, out_hbm.at[pl.ds(0, _G)], wsem1).wait()


def kernel(x, weight):
    return _gather_kernel(x.astype(jnp.int32), weight)

# --- scband reference (transcript-rebuilt; emitter-appended) ---
"""Pipeline reference for scband-embedding-19301583028509 (READ-ONLY COPY).

The authoritative reference and input builder live on the scoring server;
editing this copy changes nothing except your own understanding.
"""

import jax, jax.numpy as jnp
import numpy as np

VOCAB = 1000000
HIDDEN = 64

def setup_inputs(seed: int = 0) -> dict:
    key = jax.random.key(seed)
    k1, k2 = jax.random.split(key)
    x = jax.random.randint(k1, (4096, 200), 0, VOCAB, dtype=jnp.int64 if jax.config.jax_enable_x64 else jnp.int32)
    weight = jax.random.normal(k2, (VOCAB, HIDDEN), dtype=jnp.float32) * 0.02
    return {"x": x, "weight": weight}

def reference(x, weight):
    # nn.Embedding forward: gather rows of the embedding table
    return jnp.take(weight, x, axis=0)

if __name__ == "__main__":
    import jax
    _d = setup_inputs()
    print(jax.jit(kernel)(*tuple(_d.values())))

</pallas_src>

<mosaic_0001>
#map = affine_map<(d0, d1) -> (0, 0)>
#map1 = affine_map<(d0, d1) -> (0, 0, 0)>
module attributes {stable_mosaic.version = 14 : i64} {
  func.func @_gather_kernel(%arg0: i32, %arg1: i32, %arg2: memref<4096x200xi32, #tpu.memory_space<hbm>>, %arg3: memref<1000000x64xf32, #tpu.memory_space<hbm>>, %arg4: memref<4096x200x64xf32, #tpu.memory_space<hbm>>, %arg5: memref<8x200xi32, #tpu.memory_space<vmem>>, %arg6: memref<4x200x64xf32, #tpu.memory_space<vmem>>, %arg7: memref<4x200x64xf32, #tpu.memory_space<vmem>>, %arg8: memref<!tpu.dma_semaphore, #tpu.memory_space<semaphore_mem>>, %arg9: memref<!tpu.dma_semaphore, #tpu.memory_space<semaphore_mem>>, %arg10: memref<!tpu.dma_semaphore, #tpu.memory_space<semaphore_mem>>) attributes {dimension_semantics = [#tpu.dimension_semantics<core_parallel>, #tpu.dimension_semantics<subcore_parallel>], iteration_bounds = array<i64: 2, 16>, scalar_prefetch = 0 : i64, scratch_operands = 6 : i64, tpu.core_type = #tpu.core_type<sc_vector_subcore>, window_params = [{transform_indices = #map}, {transform_indices = #map}, {transform_indices = #map1}]} {
    %mul3A = arith.constant 2 : i32
    %mul3A_0 = arith.muli %arg1, %mul3A : i32
    %add3A = arith.addi %mul3A_0, %arg0 : i32
    %mul3A_1 = arith.constant 128 : i32
    %mul3A_2 = arith.muli %add3A, %mul3A_1 : i32
    %scan3A = arith.constant 0 : i32
    %scan3A_3 = arith.constant 0 : i32
    %scan3A_4 = arith.constant 16 : i32
    %scan3A_5 = arith.addi %scan3A_3, %scan3A_4 : i32
    %scan3A_6 = arith.constant 1 : i32
    scf.for %scan3A_23 = %scan3A_3 to %scan3A_5 step %scan3A_6  : i32 {
      %mul3A_24 = arith.constant 2 : i32
      %mul3A_25 = arith.muli %mul3A_24, %scan3A_23 : i32
      %mul3A_26 = arith.constant 4 : i32
      %mul3A_27 = arith.muli %mul3A_25, %mul3A_26 : i32
      %add3A_28 = arith.addi %mul3A_2, %mul3A_27 : i32
      "tpu.region"() ({
        %run_scoped3A = tpu.sem_alloc : memref<!tpu.dma_semaphore, #tpu.memory_space<semaphore_mem>>
        %dma_start3A_433 = arith.constant 0 : i32
        %dma_start3A_434 = tpu.memref_slice %arg2[%add3A_28, %dma_start3A_433] : memref<4096x200xi32, #tpu.memory_space<hbm>> -> memref<8x200xi32, #tpu.memory_space<hbm>>
        %dma_start3A_435 = arith.constant 0 : i32
        %dma_start3A_436 = tpu.memref_slice %arg2[%add3A_28, %dma_start3A_435] : memref<4096x200xi32, #tpu.memory_space<hbm>> -> memref<8x200xi32, #tpu.memory_space<hbm>>
        tpu.enqueue_dma source(%dma_start3A_436 : memref<8x200xi32, #tpu.memory_space<hbm>>) target(%arg5 : memref<8x200xi32, #tpu.memory_space<vmem>>) target_semaphore(%run_scoped3A : memref<!tpu.dma_semaphore, #tpu.memory_space<semaphore_mem>>)
        %dma_wait3A_437 = arith.constant 0 : i32
        %dma_wait3A_438 = tpu.memref_slice %arg2[%add3A_28, %dma_wait3A_437] : memref<4096x200xi32, #tpu.memory_space<hbm>> -> memref<8x200xi32, #tpu.memory_space<hbm>>
        %dma_wait3A_439 = arith.constant 0 : i32
        %dma_wait3A_440 = tpu.memref_slice %arg2[%add3A_28, %dma_wait3A_439] : memref<4096x200xi32, #tpu.memory_space<hbm>> -> memref<8x200xi32, #tpu.memory_space<hbm>>
        tpu.wait_dma2 semaphore(%run_scoped3A : memref<!tpu.dma_semaphore, #tpu.memory_space<semaphore_mem>>) src(%dma_wait3A_440 : memref<8x200xi32, #tpu.memory_space<hbm>>) dst(%arg5 : memref<8x200xi32, #tpu.memory_space<vmem>>)
        tpu.yield
      }) : () -> ()
      %gt3A = arith.constant 0 : i32
      %gt3A_29 = arith.cmpi sgt, %scan3A_23, %gt3A : i32
      %convert_element_type3A = arith.extui %gt3A_29 : i1 to i32
      %cond3A = arith.constant 0 : i32
      %cond3A_30 = arith.cmpi ne, %convert_element_type3A, %cond3A : i32
      scf.if %cond3A_30 {
        %dma_wait3A_433 = arith.constant 0 : i32
        %dma_wait3A_434 = arith.constant 0 : i32
        %dma_wait3A_435 = arith.constant 0 : i32
        %dma_wait3A_436 = tpu.memref_slice %arg4[%dma_wait3A_433, %dma_wait3A_434, %dma_wait3A_435] : memref<4096x200x64xf32, #tpu.memory_space<hbm>> -> memref<4x200x64xf32, #tpu.memory_space<hbm>>
        %dma_wait3A_437 = arith.constant 0 : i32
        %dma_wait3A_438 = arith.constant 0 : i32
        %dma_wait3A_439 = arith.constant 0 : i32
        %dma_wait3A_440 = tpu.memref_slice %arg4[%dma_wait3A_437, %dma_wait3A_438, %dma_wait3A_439] : memref<4096x200x64xf32, #tpu.memory_space<hbm>> -> memref<4x200x64xf32, #tpu.memory_space<hbm>>
        tpu.wait_dma2 semaphore(%arg9 : memref<!tpu.dma_semaphore, #tpu.memory_space<semaphore_mem>>) src(%arg6 : memref<4x200x64xf32, #tpu.memory_space<vmem>>) dst(%dma_wait3A_440 : memref<4x200x64xf32, #tpu.memory_space<hbm>>)
      } else {
      }
      %dma_start3A = arith.constant 0 : i32
      %dma_start3A_31 = arith.constant 0 : i32
      %dma_start3A_32 = arith.constant 0 : i32
      %dma_start3A_33 = arith.constant 0 : i32
      %dma_start3A_34 = tpu.memref_slice %arg6[%dma_start3A_31, %dma_start3A_32, %dma_start3A_33] : memref<4x200x64xf32, #tpu.memory_space<vmem>> -> memref<1x128x64xf32, #tpu.memory_space<vmem>>
      %dma_start3A_35 = tpu.memref_squeeze %dma_start3A_34 : memref<1x128x64xf32, #tpu.memory_space<vmem>> -> memref<128x64xf32, #tpu.memory_space<vmem>>
      %dma_start3A_36 = arith.constant 0 : i32
      %dma_start3A_37 = tpu.memref_slice %arg5[%dma_start3A, %dma_start3A_36] : memref<8x200xi32, #tpu.memory_space<vmem>> -> memref<1x128xi32, #tpu.memory_space<vmem>>
      %dma_start3A_38 = tpu.memref_squeeze %dma_start3A_37 : memref<1x128xi32, #tpu.memory_space<vmem>> -> memref<128xi32, #tpu.memory_space<vmem>>
      %dma_start3A_39 = arith.constant 0 : i32
      %dma_start3A_40 = arith.constant 0 : i32
      %dma_start3A_41 = tpu.memref_slice %arg3[%dma_start3A_39, %dma_start3A_40] : memref<1000000x64xf32, #tpu.memory_space<hbm>> -> memref<1000000x64xf32, #tpu.memory_space<hbm>>
      tpu.enqueue_indirect_dma source(%dma_start3A_41 : memref<1000000x64xf32, #tpu.memory_space<hbm>>) target(%dma_start3A_35 : memref<128x64xf32, #tpu.memory_space<vmem>>) offsets(%dma_start3A_38 : memref<128xi32, #tpu.memory_space<vmem>>) semaphore(%arg8 : memref<!tpu.dma_semaphore, #tpu.memory_space<semaphore_mem>>)
      %dma_start3A_42 = arith.constant 0 : i32
      %dma_start3A_43 = arith.constant 0 : i32
      %dma_start3A_44 = arith.constant 128 : i32
      %dma_start3A_45 = arith.constant 0 : i32
      %dma_start3A_46 = tpu.memref_slice %arg6[%dma_start3A_43, %dma_start3A_44, %dma_start3A_45] : memref<4x200x64xf32, #tpu.memory_space<vmem>> -> memref<1x72x64xf32, #tpu.memory_space<vmem>>
      %dma_start3A_47 = tpu.memref_squeeze %dma_start3A_46 : memref<1x72x64xf32, #tpu.memory_space<vmem>> -> memref<72x64xf32, #tpu.memory_space<vmem>>
      %dma_start3A_48 = arith.constant 128 : i32
      %dma_start3A_49 = tpu.memref_slice %arg5[%dma_start3A_42, %dma_start3A_48] : memref<8x200xi32, #tpu.memory_space<vmem>> -> memref<1x72xi32, #tpu.memory_space<vmem>>
      %dma_start3A_50 = tpu.memref_squeeze %dma_start3A_49 : memref<1x72xi32, #tpu.memory_space<vmem>> -> memref<72xi32, #tpu.memory_space<vmem>>
      %dma_start3A_51 = arith.constant 0 : i32
      %dma_start3A_52 = arith.constant 0 : i32
      %dma_start3A_53 = tpu.memref_slice %arg3[%dma_start3A_51, %dma_start3A_52] : memref<1000000x64xf32, #tpu.memory_space<hbm>> -> memref<1000000x64xf32, #tpu.memory_space<hbm>>
      tpu.enqueue_indirect_dma source(%dma_start3A_53 : memref<1000000x64xf32, #tpu.memory_space<hbm>>) target(%dma_start3A_47 : memref<72x64xf32, #tpu.memory_space<vmem>>) offsets(%dma_start3A_50 : memref<72xi32, #tpu.memory_space<vmem>>) semaphore(%arg8 : memref<!tpu.dma_semaphore, #tpu.memory_space<semaphore_mem>>)
      %dma_start3A_54 = arith.constant 1 : i32
      %dma_start3A_55 = arith.constant 1 : i32
      %dma_start3A_56 = arith.constant 0 : i32
      %dma_start3A_57 = arith.constant 0 : i32
      %dma_start3A_58 = tpu.memref_slice %arg6[%dma_start3A_55, %dma_start3A_56, %dma_start3A_57] : memref<4x200x64xf32, #tpu.memory_space<vmem>> -> memref<1x128x64xf32, #tpu.memory_space<vmem>>
      %dma_start3A_59 = tpu.memref_squeeze %dma_start3A_58 : memref<1x128x64xf32, #tpu.memory_space<vmem>> -> memref<128x64xf32, #tpu.memory_space<vmem>>
      %dma_start3A_60 = arith.constant 0 : i32
      %dma_start3A_61 = tpu.memref_slice %arg5[%dma_start3A_54, %dma_start3A_60] : memref<8x200xi32, #tpu.memory_space<vmem>> -> memref<1x128xi32, #tpu.memory_space<vmem>>
      %dma_start3A_62 = tpu.memref_squeeze %dma_start3A_61 : memref<1x128xi32, #tpu.memory_space<vmem>> -> memref<128xi32, #tpu.memory_space<vmem>>
      %dma_start3A_63 = arith.constant 0 : i32
      %dma_start3A_64 = arith.constant 0 : i32
      %dma_start3A_65 = tpu.memref_slice %arg3[%dma_start3A_63, %dma_start3A_64] : memref<1000000x64xf32, #tpu.memory_space<hbm>> -> memref<1000000x64xf32, #tpu.memory_space<hbm>>
      tpu.enqueue_indirect_dma source(%dma_start3A_65 : memref<1000000x64xf32, #tpu.memory_space<hbm>>) target(%dma_start3A_59 : memref<128x64xf32, #tpu.memory_space<vmem>>) offsets(%dma_start3A_62 : memref<128xi32, #tpu.memory_space<vmem>>) semaphore(%arg8 : memref<!tpu.dma_semaphore, #tpu.memory_space<semaphore_mem>>)
      %dma_start3A_66 = arith.constant 1 : i32
      %dma_start3A_67 = arith.constant 1 : i32
      %dma_start3A_68 = arith.constant 128 : i32
      %dma_start3A_69 = arith.constant 0 : i32
      %dma_start3A_70 = tpu.memref_slice %arg6[%dma_start3A_67, %dma_start3A_68, %dma_start3A_69] : memref<4x200x64xf32, #tpu.memory_space<vmem>> -> memref<1x72x64xf32, #tpu.memory_space<vmem>>
      %dma_start3A_71 = tpu.memref_squeeze %dma_start3A_70 : memref<1x72x64xf32, #tpu.memory_space<vmem>> -> memref<72x64xf32, #tpu.memory_space<vmem>>
      %dma_start3A_72 = arith.constant 128 : i32
      %dma_start3A_73 = tpu.memref_slice %arg5[%dma_start3A_66, %dma_start3A_72] : memref<8x200xi32, #tpu.memory_space<vmem>> -> memref<1x72xi32, #tpu.memory_space<vmem>>
      %dma_start3A_74 = tpu.memref_squeeze %dma_start3A_73 : memref<1x72xi32, #tpu.memory_space<vmem>> -> memref<72xi32, #tpu.memory_space<vmem>>
      %dma_start3A_75 = arith.constant 0 : i32
      %dma_start3A_76 = arith.constant 0 : i32
      %dma_start3A_77 = tpu.memref_slice %arg3[%dma_start3A_75, %dma_start3A_76] : memref<1000000x64xf32, #tpu.memory_space<hbm>> -> memref<1000000x64xf32, #tpu.memory_space<hbm>>
      tpu.enqueue_indirect_dma source(%dma_start3A_77 : memref<1000000x64xf32, #tpu.memory_space<hbm>>) target(%dma_start3A_71 : memref<72x64xf32, #tpu.memory_space<vmem>>) offsets(%dma_start3A_74 : memref<72xi32, #tpu.memory_space<vmem>>) semaphore(%arg8 : memref<!tpu.dma_semaphore, #tpu.memory_space<semaphore_mem>>)
      %dma_start3A_78 = arith.constant 2 : i32
      %dma_start3A_79 = arith.constant 2 : i32
      %dma_start3A_80 = arith.constant 0 : i32
      %dma_start3A_81 = arith.constant 0 : i32
      %dma_start3A_82 = tpu.memref_slice %arg6[%dma_start3A_79, %dma_start3A_80, %dma_start3A_81] : memref<4x200x64xf32, #tpu.memory_space<vmem>> -> memref<1x128x64xf32, #tpu.memory_space<vmem>>
      %dma_start3A_83 = tpu.memref_squeeze %dma_start3A_82 : memref<1x128x64xf32, #tpu.memory_space<vmem>> -> memref<128x64xf32, #tpu.memory_space<vmem>>
      %dma_start3A_84 = arith.constant 0 : i32
      %dma_start3A_85 = tpu.memref_slice %arg5[%dma_start3A_78, %dma_start3A_84] : memref<8x200xi32, #tpu.memory_space<vmem>> -> memref<1x128xi32, #tpu.memory_space<vmem>>
      %dma_start3A_86 = tpu.memref_squeeze %dma_start3A_85 : memref<1x128xi32, #tpu.memory_space<vmem>> -> memref<128xi32, #tpu.memory_space<vmem>>
      %dma_start3A_87 = arith.constant 0 : i32
      %dma_start3A_88 = arith.constant 0 : i32
      %dma_start3A_89 = tpu.memref_slice %arg3[%dma_start3A_87, %dma_start3A_88] : memref<1000000x64xf32, #tpu.memory_space<hbm>> -> memref<1000000x64xf32, #tpu.memory_space<hbm>>
      tpu.enqueue_indirect_dma source(%dma_start3A_89 : memref<1000000x64xf32, #tpu.memory_space<hbm>>) target(%dma_start3A_83 : memref<128x64xf32, #tpu.memory_space<vmem>>) offsets(%dma_start3A_86 : memref<128xi32, #tpu.memory_space<vmem>>) semaphore(%arg8 : memref<!tpu.dma_semaphore, #tpu.memory_space<semaphore_mem>>)
      %dma_start3A_90 = arith.constant 2 : i32
      %dma_start3A_91 = arith.constant 2 : i32
      %dma_start3A_92 = arith.constant 128 : i32
      %dma_start3A_93 = arith.constant 0 : i32
      %dma_start3A_94 = tpu.memref_slice %arg6[%dma_start3A_91, %dma_start3A_92, %dma_start3A_93] : memref<4x200x64xf32, #tpu.memory_space<vmem>> -> memref<1x72x64xf32, #tpu.memory_space<vmem>>
      %dma_start3A_95 = tpu.memref_squeeze %dma_start3A_94 : memref<1x72x64xf32, #tpu.memory_space<vmem>> -> memref<72x64xf32, #tpu.memory_space<vmem>>
      %dma_start3A_96 = arith.constant 128 : i32
      %dma_start3A_97 = tpu.memref_slice %arg5[%dma_start3A_90, %dma_start3A_96] : memref<8x200xi32, #tpu.memory_space<vmem>> -> memref<1x72xi32, #tpu.memory_space<vmem>>
      %dma_start3A_98 = tpu.memref_squeeze %dma_start3A_97 : memref<1x72xi32, #tpu.memory_space<vmem>> -> memref<72xi32, #tpu.memory_space<vmem>>
      %dma_start3A_99 = arith.constant 0 : i32
      %dma_start3A_100 = arith.constant 0 : i32
      %dma_start3A_101 = tpu.memref_slice %arg3[%dma_start3A_99, %dma_start3A_100] : memref<1000000x64xf32, #tpu.memory_space<hbm>> -> memref<1000000x64xf32, #tpu.memory_space<hbm>>
      tpu.enqueue_indirect_dma source(%dma_start3A_101 : memref<1000000x64xf32, #tpu.memory_space<hbm>>) target(%dma_start3A_95 : memref<72x64xf32, #tpu.memory_space<vmem>>) offsets(%dma_start3A_98 : memref<72xi32, #tpu.memory_space<vmem>>) semaphore(%arg8 : memref<!tpu.dma_semaphore, #tpu.memory_space<semaphore_mem>>)
      %dma_start3A_102 = arith.constant 3 : i32
      %dma_start3A_103 = arith.constant 3 : i32
      %dma_start3A_104 = arith.constant 0 : i32
      %dma_start3A_105 = arith.constant 0 : i32
      %dma_start3A_106 = tpu.memref_slice %arg6[%dma_start3A_103, %dma_start3A_104, %dma_start3A_105] : memref<4x200x64xf32, #tpu.memory_space<vmem>> -> memref<1x128x64xf32, #tpu.memory_space<vmem>>
      %dma_start3A_107 = tpu.memref_squeeze %dma_start3A_106 : memref<1x128x64xf32, #tpu.memory_space<vmem>> -> memref<128x64xf32, #tpu.memory_space<vmem>>
      %dma_start3A_108 = arith.constant 0 : i32
      %dma_start3A_109 = tpu.memref_slice %arg5[%dma_start3A_102, %dma_start3A_108] : memref<8x200xi32, #tpu.memory_space<vmem>> -> memref<1x128xi32, #tpu.memory_space<vmem>>
      %dma_start3A_110 = tpu.memref_squeeze %dma_start3A_109 : memref<1x128xi32, #tpu.memory_space<vmem>> -> memref<128xi32, #tpu.memory_space<vmem>>
      %dma_start3A_111 = arith.constant 0 : i32
      %dma_start3A_112 = arith.constant 0 : i32
      %dma_start3A_113 = tpu.memref_slice %arg3[%dma_start3A_111, %dma_start3A_112] : memref<1000000x64xf32, #tpu.memory_space<hbm>> -> memref<1000000x64xf32, #tpu.memory_space<hbm>>
      tpu.enqueue_indirect_dma source(%dma_start3A_113 : memref<1000000x64xf32, #tpu.memory_space<hbm>>) target(%dma_start3A_107 : memref<128x64xf32, #tpu.memory_space<vmem>>) offsets(%dma_start3A_110 : memref<128xi32, #tpu.memory_space<vmem>>) semaphore(%arg8 : memref<!tpu.dma_semaphore, #tpu.memory_space<semaphore_mem>>)
      %dma_start3A_114 = arith.constant 3 : i32
      %dma_start3A_115 = arith.constant 3 : i32
      %dma_start3A_116 = arith.constant 128 : i32
      %dma_start3A_117 = arith.constant 0 : i32
      %dma_start3A_118 = tpu.memref_slice %arg6[%dma_start3A_115, %dma_start3A_116, %dma_start3A_117] : memref<4x200x64xf32, #tpu.memory_space<vmem>> -> memref<1x72x64xf32, #tpu.memory_space<vmem>>
      %dma_start3A_119 = tpu.memref_squeeze %dma_start3A_118 : memref<1x72x64xf32, #tpu.memory_space<vmem>> -> memref<72x64xf32, #tpu.memory_space<vmem>>
      %dma_start3A_120 = arith.constant 128 : i32
      %dma_start3A_121 = tpu.memref_slice %arg5[%dma_start3A_114, %dma_start3A_120] : memref<8x200xi32, #tpu.memory_space<vmem>> -> memref<1x72xi32, #tpu.memory_space<vmem>>
      %dma_start3A_122 = tpu.memref_squeeze %dma_start3A_121 : memref<1x72xi32, #tpu.memory_space<vmem>> -> memref<72xi32, #tpu.memory_space<vmem>>
      %dma_start3A_123 = arith.constant 0 : i32
      %dma_start3A_124 = arith.constant 0 : i32
      %dma_start3A_125 = tpu.memref_slice %arg3[%dma_start3A_123, %dma_start3A_124] : memref<1000000x64xf32, #tpu.memory_space<hbm>> -> memref<1000000x64xf32, #tpu.memory_space<hbm>>
      tpu.enqueue_indirect_dma source(%dma_start3A_125 : memref<1000000x64xf32, #tpu.memory_space<hbm>>) target(%dma_start3A_119 : memref<72x64xf32, #tpu.memory_space<vmem>>) offsets(%dma_start3A_122 : memref<72xi32, #tpu.memory_space<vmem>>) semaphore(%arg8 : memref<!tpu.dma_semaphore, #tpu.memory_space<semaphore_mem>>)
      %gt3A_126 = arith.constant 0 : i32
      %gt3A_127 = arith.cmpi sgt, %scan3A_23, %gt3A_126 : i32
      %convert_element_type3A_128 = arith.extui %gt3A_127 : i1 to i32
      %cond3A_129 = arith.constant 0 : i32
      %cond3A_130 = arith.cmpi ne, %convert_element_type3A_128, %cond3A_129 : i32
      scf.if %cond3A_130 {
        %dma_wait3A_433 = arith.constant 0 : i32
        %dma_wait3A_434 = arith.constant 0 : i32
        %dma_wait3A_435 = arith.constant 0 : i32
        %dma_wait3A_436 = tpu.memref_slice %arg4[%dma_wait3A_433, %dma_wait3A_434, %dma_wait3A_435] : memref<4096x200x64xf32, #tpu.memory_space<hbm>> -> memref<4x200x64xf32, #tpu.memory_space<hbm>>
        %dma_wait3A_437 = arith.constant 0 : i32
        %dma_wait3A_438 = arith.constant 0 : i32
        %dma_wait3A_439 = arith.constant 0 : i32
        %dma_wait3A_440 = tpu.memref_slice %arg4[%dma_wait3A_437, %dma_wait3A_438, %dma_wait3A_439] : memref<4096x200x64xf32, #tpu.memory_space<hbm>> -> memref<4x200x64xf32, #tpu.memory_space<hbm>>
        tpu.wait_dma2 semaphore(%arg10 : memref<!tpu.dma_semaphore, #tpu.memory_space<semaphore_mem>>) src(%arg7 : memref<4x200x64xf32, #tpu.memory_space<vmem>>) dst(%dma_wait3A_440 : memref<4x200x64xf32, #tpu.memory_space<hbm>>)
      } else {
      }
      %dma_wait3A_131 = arith.constant 0 : i32
      %dma_wait3A_132 = arith.constant 0 : i32
      %dma_wait3A_133 = arith.constant 0 : i32
      %dma_wait3A_134 = arith.constant 0 : i32
      %dma_wait3A_135 = tpu.memref_slice %arg6[%dma_wait3A_132, %dma_wait3A_133, %dma_wait3A_134] : memref<4x200x64xf32, #tpu.memory_space<vmem>> -> memref<1x128x64xf32, #tpu.memory_space<vmem>>
      %dma_wait3A_136 = tpu.memref_squeeze %dma_wait3A_135 : memref<1x128x64xf32, #tpu.memory_space<vmem>> -> memref<128x64xf32, #tpu.memory_space<vmem>>
      %dma_wait3A_137 = arith.constant 0 : i32
      %dma_wait3A_138 = tpu.memref_slice %arg5[%dma_wait3A_131, %dma_wait3A_137] : memref<8x200xi32, #tpu.memory_space<vmem>> -> memref<1x128xi32, #tpu.memory_space<vmem>>
      %dma_wait3A_139 = tpu.memref_squeeze %dma_wait3A_138 : memref<1x128xi32, #tpu.memory_space<vmem>> -> memref<128xi32, #tpu.memory_space<vmem>>
      %dma_wait3A_140 = arith.constant 0 : i32
      %dma_wait3A_141 = arith.constant 0 : i32
      %dma_wait3A_142 = tpu.memref_slice %arg3[%dma_wait3A_140, %dma_wait3A_141] : memref<1000000x64xf32, #tpu.memory_space<hbm>> -> memref<1000000x64xf32, #tpu.memory_space<hbm>>
      tpu.wait_indirect_dma semaphore(%arg8 : memref<!tpu.dma_semaphore, #tpu.memory_space<semaphore_mem>>) src(%dma_wait3A_142 : memref<1000000x64xf32, #tpu.memory_space<hbm>>) dst(%dma_wait3A_136 : memref<128x64xf32, #tpu.memory_space<vmem>>)
      %dma_wait3A_143 = arith.constant 0 : i32
      %dma_wait3A_144 = arith.constant 0 : i32
      %dma_wait3A_145 = arith.constant 128 : i32
      %dma_wait3A_146 = arith.constant 0 : i32
      %dma_wait3A_147 = tpu.memref_slice %arg6[%dma_wait3A_144, %dma_wait3A_145, %dma_wait3A_146] : memref<4x200x64xf32, #tpu.memory_space<vmem>> -> memref<1x72x64xf32, #tpu.memory_space<vmem>>
      %dma_wait3A_148 = tpu.memref_squeeze %dma_wait3A_147 : memref<1x72x64xf32, #tpu.memory_space<vmem>> -> memref<72x64xf32, #tpu.memory_space<vmem>>
      %dma_wait3A_149 = arith.constant 128 : i32
      %dma_wait3A_150 = tpu.memref_slice %arg5[%dma_wait3A_143, %dma_wait3A_149] : memref<8x200xi32, #tpu.memory_space<vmem>> -> memref<1x72xi32, #tpu.memory_space<vmem>>
      %dma_wait3A_151 = tpu.memref_squeeze %dma_wait3A_150 : memref<1x72xi32, #tpu.memory_space<vmem>> -> memref<72xi32, #tpu.memory_space<vmem>>
      %dma_wait3A_152 = arith.constant 0 : i32
      %dma_wait3A_153 = arith.constant 0 : i32
      %dma_wait3A_154 = tpu.memref_slice %arg3[%dma_wait3A_152, %dma_wait3A_153] : memref<1000000x64xf32, #tpu.memory_space<hbm>> -> memref<1000000x64xf32, #tpu.memory_space<hbm>>
      tpu.wait_indirect_dma semaphore(%arg8 : memref<!tpu.dma_semaphore, #tpu.memory_space<semaphore_mem>>) src(%dma_wait3A_154 : memref<1000000x64xf32, #tpu.memory_space<hbm>>) dst(%dma_wait3A_148 : memref<72x64xf32, #tpu.memory_space<vmem>>)
      %dma_wait3A_155 = arith.constant 1 : i32
      %dma_wait3A_156 = arith.constant 1 : i32
      %dma_wait3A_157 = arith.constant 0 : i32
      %dma_wait3A_158 = arith.constant 0 : i32
      %dma_wait3A_159 = tpu.memref_slice %arg6[%dma_wait3A_156, %dma_wait3A_157, %dma_wait3A_158] : memref<4x200x64xf32, #tpu.memory_space<vmem>> -> memref<1x128x64xf32, #tpu.memory_space<vmem>>
      %dma_wait3A_160 = tpu.memref_squeeze %dma_wait3A_159 : memref<1x128x64xf32, #tpu.memory_space<vmem>> -> memref<128x64xf32, #tpu.memory_space<vmem>>
      %dma_wait3A_161 = arith.constant 0 : i32
      %dma_wait3A_162 = tpu.memref_slice %arg5[%dma_wait3A_155, %dma_wait3A_161] : memref<8x200xi32, #tpu.memory_space<vmem>> -> memref<1x128xi32, #tpu.memory_space<vmem>>
      %dma_wait3A_163 = tpu.memref_squeeze %dma_wait3A_162 : memref<1x128xi32, #tpu.memory_space<vmem>> -> memref<128xi32, #tpu.memory_space<vmem>>
      %dma_wait3A_164 = arith.constant 0 : i32
      %dma_wait3A_165 = arith.constant 0 : i32
      %dma_wait3A_166 = tpu.memref_slice %arg3[%dma_wait3A_164, %dma_wait3A_165] : memref<1000000x64xf32, #tpu.memory_space<hbm>> -> memref<1000000x64xf32, #tpu.memory_space<hbm>>
      tpu.wait_indirect_dma semaphore(%arg8 : memref<!tpu.dma_semaphore, #tpu.memory_space<semaphore_mem>>) src(%dma_wait3A_166 : memref<1000000x64xf32, #tpu.memory_space<hbm>>) dst(%dma_wait3A_160 : memref<128x64xf32, #tpu.memory_space<vmem>>)
      %dma_wait3A_167 = arith.constant 1 : i32
      %dma_wait3A_168 = arith.constant 1 : i32
      %dma_wait3A_169 = arith.constant 128 : i32
      %dma_wait3A_170 = arith.constant 0 : i32
      %dma_wait3A_171 = tpu.memref_slice %arg6[%dma_wait3A_168, %dma_wait3A_169, %dma_wait3A_170] : memref<4x200x64xf32, #tpu.memory_space<vmem>> -> memref<1x72x64xf32, #tpu.memory_space<vmem>>
      %dma_wait3A_172 = tpu.memref_squeeze %dma_wait3A_171 : memref<1x72x64xf32, #tpu.memory_space<vmem>> -> memref<72x64xf32, #tpu.memory_space<vmem>>
      %dma_wait3A_173 = arith.constant 128 : i32
      %dma_wait3A_174 = tpu.memref_slice %arg5[%dma_wait3A_167, %dma_wait3A_173] : memref<8x200xi32, #tpu.memory_space<vmem>> -> memref<1x72xi32, #tpu.memory_space<vmem>>
      %dma_wait3A_175 = tpu.memref_squeeze %dma_wait3A_174 : memref<1x72xi32, #tpu.memory_space<vmem>> -> memref<72xi32, #tpu.memory_space<vmem>>
      %dma_wait3A_176 = arith.constant 0 : i32
      %dma_wait3A_177 = arith.constant 0 : i32
      %dma_wait3A_178 = tpu.memref_slice %arg3[%dma_wait3A_176, %dma_wait3A_177] : memref<1000000x64xf32, #tpu.memory_space<hbm>> -> memref<1000000x64xf32, #tpu.memory_space<hbm>>
      tpu.wait_indirect_dma semaphore(%arg8 : memref<!tpu.dma_semaphore, #tpu.memory_space<semaphore_mem>>) src(%dma_wait3A_178 : memref<1000000x64xf32, #tpu.memory_space<hbm>>) dst(%dma_wait3A_172 : memref<72x64xf32, #tpu.memory_space<vmem>>)
      %dma_wait3A_179 = arith.constant 2 : i32
      %dma_wait3A_180 = arith.constant 2 : i32
      %dma_wait3A_181 = arith.constant 0 : i32
      %dma_wait3A_182 = arith.constant 0 : i32
      %dma_wait3A_183 = tpu.memref_slice %arg6[%dma_wait3A_180, %dma_wait3A_181, %dma_wait3A_182] : memref<4x200x64xf32, #tpu.memory_space<vmem>> -> memref<1x128x64xf32, #tpu.memory_space<vmem>>
      %dma_wait3A_184 = tpu.memref_squeeze %dma_wait3A_183 : memref<1x128x64xf32, #tpu.memory_space<vmem>> -> memref<128x64xf32, #tpu.memory_space<vmem>>
      %dma_wait3A_185 = arith.constant 0 : i32
      %dma_wait3A_186 = tpu.memref_slice %arg5[%dma_wait3A_179, %dma_wait3A_185] : memref<8x200xi32, #tpu.memory_space<vmem>> -> memref<1x128xi32, #tpu.memory_space<vmem>>
      %dma_wait3A_187 = tpu.memref_squeeze %dma_wait3A_186 : memref<1x128xi32, #tpu.memory_space<vmem>> -> memref<128xi32, #tpu.memory_space<vmem>>
      %dma_wait3A_188 = arith.constant 0 : i32
      %dma_wait3A_189 = arith.constant 0 : i32
      %dma_wait3A_190 = tpu.memref_slice %arg3[%dma_wait3A_188, %dma_wait3A_189] : memref<1000000x64xf32, #tpu.memory_space<hbm>> -> memref<1000000x64xf32, #tpu.memory_space<hbm>>
      tpu.wait_indirect_dma semaphore(%arg8 : memref<!tpu.dma_semaphore, #tpu.memory_space<semaphore_mem>>) src(%dma_wait3A_190 : memref<1000000x64xf32, #tpu.memory_space<hbm>>) dst(%dma_wait3A_184 : memref<128x64xf32, #tpu.memory_space<vmem>>)
      %dma_wait3A_191 = arith.constant 2 : i32
      %dma_wait3A_192 = arith.constant 2 : i32
      %dma_wait3A_193 = arith.constant 128 : i32
      %dma_wait3A_194 = arith.constant 0 : i32
      %dma_wait3A_195 = tpu.memref_slice %arg6[%dma_wait3A_192, %dma_wait3A_193, %dma_wait3A_194] : memref<4x200x64xf32, #tpu.memory_space<vmem>> -> memref<1x72x64xf32, #tpu.memory_space<vmem>>
      %dma_wait3A_196 = tpu.memref_squeeze %dma_wait3A_195 : memref<1x72x64xf32, #tpu.memory_space<vmem>> -> memref<72x64xf32, #tpu.memory_space<vmem>>
      %dma_wait3A_197 = arith.constant 128 : i32
      %dma_wait3A_198 = tpu.memref_slice %arg5[%dma_wait3A_191, %dma_wait3A_197] : memref<8x200xi32, #tpu.memory_space<vmem>> -> memref<1x72xi32, #tpu.memory_space<vmem>>
      %dma_wait3A_199 = tpu.memref_squeeze %dma_wait3A_198 : memref<1x72xi32, #tpu.memory_space<vmem>> -> memref<72xi32, #tpu.memory_space<vmem>>
      %dma_wait3A_200 = arith.constant 0 : i32
      %dma_wait3A_201 = arith.constant 0 : i32
      %dma_wait3A_202 = tpu.memref_slice %arg3[%dma_wait3A_200, %dma_wait3A_201] : memref<1000000x64xf32, #tpu.memory_space<hbm>> -> memref<1000000x64xf32, #tpu.memory_space<hbm>>
      tpu.wait_indirect_dma semaphore(%arg8 : memref<!tpu.dma_semaphore, #tpu.memory_space<semaphore_mem>>) src(%dma_wait3A_202 : memref<1000000x64xf32, #tpu.memory_space<hbm>>) dst(%dma_wait3A_196 : memref<72x64xf32, #tpu.memory_space<vmem>>)
      %dma_wait3A_203 = arith.constant 3 : i32
      %dma_wait3A_204 = arith.constant 3 : i32
      %dma_wait3A_205 = arith.constant 0 : i32
      %dma_wait3A_206 = arith.constant 0 : i32
      %dma_wait3A_207 = tpu.memref_slice %arg6[%dma_wait3A_204, %dma_wait3A_205, %dma_wait3A_206] : memref<4x200x64xf32, #tpu.memory_space<vmem>> -> memref<1x128x64xf32, #tpu.memory_space<vmem>>
      %dma_wait3A_208 = tpu.memref_squeeze %dma_wait3A_207 : memref<1x128x64xf32, #tpu.memory_space<vmem>> -> memref<128x64xf32, #tpu.memory_space<vmem>>
      %dma_wait3A_209 = arith.constant 0 : i32
      %dma_wait3A_210 = tpu.memref_slice %arg5[%dma_wait3A_203, %dma_wait3A_209] : memref<8x200xi32, #tpu.memory_space<vmem>> -> memref<1x128xi32, #tpu.memory_space<vmem>>
      %dma_wait3A_211 = tpu.memref_squeeze %dma_wait3A_210 : memref<1x128xi32, #tpu.memory_space<vmem>> -> memref<128xi32, #tpu.memory_space<vmem>>
      %dma_wait3A_212 = arith.constant 0 : i32
      %dma_wait3A_213 = arith.constant 0 : i32
      %dma_wait3A_214 = tpu.memref_slice %arg3[%dma_wait3A_212, %dma_wait3A_213] : memref<1000000x64xf32, #tpu.memory_space<hbm>> -> memref<1000000x64xf32, #tpu.memory_space<hbm>>
      tpu.wait_indirect_dma semaphore(%arg8 : memref<!tpu.dma_semaphore, #tpu.memory_space<semaphore_mem>>) src(%dma_wait3A_214 : memref<1000000x64xf32, #tpu.memory_space<hbm>>) dst(%dma_wait3A_208 : memref<128x64xf32, #tpu.memory_space<vmem>>)
      %dma_wait3A_215 = arith.constant 3 : i32
      %dma_wait3A_216 = arith.constant 3 : i32
      %dma_wait3A_217 = arith.constant 128 : i32
      %dma_wait3A_218 = arith.constant 0 : i32
      %dma_wait3A_219 = tpu.memref_slice %arg6[%dma_wait3A_216, %dma_wait3A_217, %dma_wait3A_218] : memref<4x200x64xf32, #tpu.memory_space<vmem>> -> memref<1x72x64xf32, #tpu.memory_space<vmem>>
      %dma_wait3A_220 = tpu.memref_squeeze %dma_wait3A_219 : memref<1x72x64xf32, #tpu.memory_space<vmem>> -> memref<72x64xf32, #tpu.memory_space<vmem>>
      %dma_wait3A_221 = arith.constant 128 : i32
      %dma_wait3A_222 = tpu.memref_slice %arg5[%dma_wait3A_215, %dma_wait3A_221] : memref<8x200xi32, #tpu.memory_space<vmem>> -> memref<1x72xi32, #tpu.memory_space<vmem>>
      %dma_wait3A_223 = tpu.memref_squeeze %dma_wait3A_222 : memref<1x72xi32, #tpu.memory_space<vmem>> -> memref<72xi32, #tpu.memory_space<vmem>>
      %dma_wait3A_224 = arith.constant 0 : i32
      %dma_wait3A_225 = arith.constant 0 : i32
      %dma_wait3A_226 = tpu.memref_slice %arg3[%dma_wait3A_224, %dma_wait3A_225] : memref<1000000x64xf32, #tpu.memory_space<hbm>> -> memref<1000000x64xf32, #tpu.memory_space<hbm>>
      tpu.wait_indirect_dma semaphore(%arg8 : memref<!tpu.dma_semaphore, #tpu.memory_space<semaphore_mem>>) src(%dma_wait3A_226 : memref<1000000x64xf32, #tpu.memory_space<hbm>>) dst(%dma_wait3A_220 : memref<72x64xf32, #tpu.memory_space<vmem>>)
      %dma_start3A_227 = arith.constant 0 : i32
      %dma_start3A_228 = arith.constant 0 : i32
      %dma_start3A_229 = tpu.memref_slice %arg4[%add3A_28, %dma_start3A_227, %dma_start3A_228] : memref<4096x200x64xf32, #tpu.memory_space<hbm>> -> memref<4x200x64xf32, #tpu.memory_space<hbm>>
      %dma_start3A_230 = arith.constant 0 : i32
      %dma_start3A_231 = arith.constant 0 : i32
      %dma_start3A_232 = tpu.memref_slice %arg4[%add3A_28, %dma_start3A_230, %dma_start3A_231] : memref<4096x200x64xf32, #tpu.memory_space<hbm>> -> memref<4x200x64xf32, #tpu.memory_space<hbm>>
      tpu.enqueue_dma source(%arg6 : memref<4x200x64xf32, #tpu.memory_space<vmem>>) target(%dma_start3A_232 : memref<4x200x64xf32, #tpu.memory_space<hbm>>) target_semaphore(%arg9 : memref<!tpu.dma_semaphore, #tpu.memory_space<semaphore_mem>>)
      %dma_start3A_233 = arith.constant 4 : i32
      %dma_start3A_234 = arith.constant 0 : i32
      %dma_start3A_235 = arith.constant 0 : i32
      %dma_start3A_236 = arith.constant 0 : i32
      %dma_start3A_237 = tpu.memref_slice %arg7[%dma_start3A_234, %dma_start3A_235, %dma_start3A_236] : memref<4x200x64xf32, #tpu.memory_space<vmem>> -> memref<1x128x64xf32, #tpu.memory_space<vmem>>
      %dma_start3A_238 = tpu.memref_squeeze %dma_start3A_237 : memref<1x128x64xf32, #tpu.memory_space<vmem>> -> memref<128x64xf32, #tpu.memory_space<vmem>>
      %dma_start3A_239 = arith.constant 0 : i32
      %dma_start3A_240 = tpu.memref_slice %arg5[%dma_start3A_233, %dma_start3A_239] : memref<8x200xi32, #tpu.memory_space<vmem>> -> memref<1x128xi32, #tpu.memory_space<vmem>>
      %dma_start3A_241 = tpu.memref_squeeze %dma_start3A_240 : memref<1x128xi32, #tpu.memory_space<vmem>> -> memref<128xi32, #tpu.memory_space<vmem>>
      %dma_start3A_242 = arith.constant 0 : i32
      %dma_start3A_243 = arith.constant 0 : i32
      %dma_start3A_244 = tpu.memref_slice %arg3[%dma_start3A_242, %dma_start3A_243] : memref<1000000x64xf32, #tpu.memory_space<hbm>> -> memref<1000000x64xf32, #tpu.memory_space<hbm>>
      tpu.enqueue_indirect_dma source(%dma_start3A_244 : memref<1000000x64xf32, #tpu.memory_space<hbm>>) target(%dma_start3A_238 : memref<128x64xf32, #tpu.memory_space<vmem>>) offsets(%dma_start3A_241 : memref<128xi32, #tpu.memory_space<vmem>>) semaphore(%arg8 : memref<!tpu.dma_semaphore, #tpu.memory_space<semaphore_mem>>)
      %dma_start3A_245 = arith.constant 4 : i32
      %dma_start3A_246 = arith.constant 0 : i32
      %dma_start3A_247 = arith.constant 128 : i32
      %dma_start3A_248 = arith.constant 0 : i32
      %dma_start3A_249 = tpu.memref_slice %arg7[%dma_start3A_246, %dma_start3A_247, %dma_start3A_248] : memref<4x200x64xf32, #tpu.memory_space<vmem>> -> memref<1x72x64xf32, #tpu.memory_space<vmem>>
      %dma_start3A_250 = tpu.memref_squeeze %dma_start3A_249 : memref<1x72x64xf32, #tpu.memory_space<vmem>> -> memref<72x64xf32, #tpu.memory_space<vmem>>
      %dma_start3A_251 = arith.constant 128 : i32
      %dma_start3A_252 = tpu.memref_slice %arg5[%dma_start3A_245, %dma_start3A_251] : memref<8x200xi32, #tpu.memory_space<vmem>> -> memref<1x72xi32, #tpu.memory_space<vmem>>
      %dma_start3A_253 = tpu.memref_squeeze %dma_start3A_252 : memref<1x72xi32, #tpu.memory_space<vmem>> -> memref<72xi32, #tpu.memory_space<vmem>>
      %dma_start3A_254 = arith.constant 0 : i32
      %dma_start3A_255 = arith.constant 0 : i32
      %dma_start3A_256 = tpu.memref_slice %arg3[%dma_start3A_254, %dma_start3A_255] : memref<1000000x64xf32, #tpu.memory_space<hbm>> -> memref<1000000x64xf32, #tpu.memory_space<hbm>>
      tpu.enqueue_indirect_dma source(%dma_start3A_256 : memref<1000000x64xf32, #tpu.memory_space<hbm>>) target(%dma_start3A_250 : memref<72x64xf32, #tpu.memory_space<vmem>>) offsets(%dma_start3A_253 : memref<72xi32, #tpu.memory_space<vmem>>) semaphore(%arg8 : memref<!tpu.dma_semaphore, #tpu.memory_space<semaphore_mem>>)
      %dma_start3A_257 = arith.constant 5 : i32
      %dma_start3A_258 = arith.constant 1 : i32
      %dma_start3A_259 = arith.constant 0 : i32
      %dma_start3A_260 = arith.constant 0 : i32
      %dma_start3A_261 = tpu.memref_slice %arg7[%dma_start3A_258, %dma_start3A_259, %dma_start3A_260] : memref<4x200x64xf32, #tpu.memory_space<vmem>> -> memref<1x128x64xf32, #tpu.memory_space<vmem>>
      %dma_start3A_262 = tpu.memref_squeeze %dma_start3A_261 : memref<1x128x64xf32, #tpu.memory_space<vmem>> -> memref<128x64xf32, #tpu.memory_space<vmem>>
      %dma_start3A_263 = arith.constant 0 : i32
      %dma_start3A_264 = tpu.memref_slice %arg5[%dma_start3A_257, %dma_start3A_263] : memref<8x200xi32, #tpu.memory_space<vmem>> -> memref<1x128xi32, #tpu.memory_space<vmem>>
      %dma_start3A_265 = tpu.memref_squeeze %dma_start3A_264 : memref<1x128xi32, #tpu.memory_space<vmem>> -> memref<128xi32, #tpu.memory_space<vmem>>
      %dma_start3A_266 = arith.constant 0 : i32
      %dma_start3A_267 = arith.constant 0 : i32
      %dma_start3A_268 = tpu.memref_slice %arg3[%dma_start3A_266, %dma_start3A_267] : memref<1000000x64xf32, #tpu.memory_space<hbm>> -> memref<1000000x64xf32, #tpu.memory_space<hbm>>
      tpu.enqueue_indirect_dma source(%dma_start3A_268 : memref<1000000x64xf32, #tpu.memory_space<hbm>>) target(%dma_start3A_262 : memref<128x64xf32, #tpu.memory_space<vmem>>) offsets(%dma_start3A_265 : memref<128xi32, #tpu.memory_space<vmem>>) semaphore(%arg8 : memref<!tpu.dma_semaphore, #tpu.memory_space<semaphore_mem>>)
      %dma_start3A_269 = arith.constant 5 : i32
      %dma_start3A_270 = arith.constant 1 : i32
      %dma_start3A_271 = arith.constant 128 : i32
      %dma_start3A_272 = arith.constant 0 : i32
      %dma_start3A_273 = tpu.memref_slice %arg7[%dma_start3A_270, %dma_start3A_271, %dma_start3A_272] : memref<4x200x64xf32, #tpu.memory_space<vmem>> -> memref<1x72x64xf32, #tpu.memory_space<vmem>>
      %dma_start3A_274 = tpu.memref_squeeze %dma_start3A_273 : memref<1x72x64xf32, #tpu.memory_space<vmem>> -> memref<72x64xf32, #tpu.memory_space<vmem>>
      %dma_start3A_275 = arith.constant 128 : i32
      %dma_start3A_276 = tpu.memref_slice %arg5[%dma_start3A_269, %dma_start3A_275] : memref<8x200xi32, #tpu.memory_space<vmem>> -> memref<1x72xi32, #tpu.memory_space<vmem>>
      %dma_start3A_277 = tpu.memref_squeeze %dma_start3A_276 : memref<1x72xi32, #tpu.memory_space<vmem>> -> memref<72xi32, #tpu.memory_space<vmem>>
      %dma_start3A_278 = arith.constant 0 : i32
      %dma_start3A_279 = arith.constant 0 : i32
      %dma_start3A_280 = tpu.memref_slice %arg3[%dma_start3A_278, %dma_start3A_279] : memref<1000000x64xf32, #tpu.memory_space<hbm>> -> memref<1000000x64xf32, #tpu.memory_space<hbm>>
      tpu.enqueue_indirect_dma source(%dma_start3A_280 : memref<1000000x64xf32, #tpu.memory_space<hbm>>) target(%dma_start3A_274 : memref<72x64xf32, #tpu.memory_space<vmem>>) offsets(%dma_start3A_277 : memref<72xi32, #tpu.memory_space<vmem>>) semaphore(%arg8 : memref<!tpu.dma_semaphore, #tpu.memory_space<semaphore_mem>>)
      %dma_start3A_281 = arith.constant 6 : i32
      %dma_start3A_282 = arith.constant 2 : i32
      %dma_start3A_283 = arith.constant 0 : i32
      %dma_start3A_284 = arith.constant 0 : i32
      %dma_start3A_285 = tpu.memref_slice %arg7[%dma_start3A_282, %dma_start3A_283, %dma_start3A_284] : memref<4x200x64xf32, #tpu.memory_space<vmem>> -> memref<1x128x64xf32, #tpu.memory_space<vmem>>
      %dma_start3A_286 = tpu.memref_squeeze %dma_start3A_285 : memref<1x128x64xf32, #tpu.memory_space<vmem>> -> memref<128x64xf32, #tpu.memory_space<vmem>>
      %dma_start3A_287 = arith.constant 0 : i32
      %dma_start3A_288 = tpu.memref_slice %arg5[%dma_start3A_281, %dma_start3A_287] : memref<8x200xi32, #tpu.memory_space<vmem>> -> memref<1x128xi32, #tpu.memory_space<vmem>>
      %dma_start3A_289 = tpu.memref_squeeze %dma_start3A_288 : memref<1x128xi32, #tpu.memory_space<vmem>> -> memref<128xi32, #tpu.memory_space<vmem>>
      %dma_start3A_290 = arith.constant 0 : i32
      %dma_start3A_291 = arith.constant 0 : i32
      %dma_start3A_292 = tpu.memref_slice %arg3[%dma_start3A_290, %dma_start3A_291] : memref<1000000x64xf32, #tpu.memory_space<hbm>> -> memref<1000000x64xf32, #tpu.memory_space<hbm>>
      tpu.enqueue_indirect_dma source(%dma_start3A_292 : memref<1000000x64xf32, #tpu.memory_space<hbm>>) target(%dma_start3A_286 : memref<128x64xf32, #tpu.memory_space<vmem>>) offsets(%dma_start3A_289 : memref<128xi32, #tpu.memory_space<vmem>>) semaphore(%arg8 : memref<!tpu.dma_semaphore, #tpu.memory_space<semaphore_mem>>)
      %dma_start3A_293 = arith.constant 6 : i32
      %dma_start3A_294 = arith.constant 2 : i32
      %dma_start3A_295 = arith.constant 128 : i32
      %dma_start3A_296 = arith.constant 0 : i32
      %dma_start3A_297 = tpu.memref_slice %arg7[%dma_start3A_294, %dma_start3A_295, %dma_start3A_296] : memref<4x200x64xf32, #tpu.memory_space<vmem>> -> memref<1x72x64xf32, #tpu.memory_space<vmem>>
      %dma_start3A_298 = tpu.memref_squeeze %dma_start3A_297 : memref<1x72x64xf32, #tpu.memory_space<vmem>> -> memref<72x64xf32, #tpu.memory_space<vmem>>
      %dma_start3A_299 = arith.constant 128 : i32
      %dma_start3A_300 = tpu.memref_slice %arg5[%dma_start3A_293, %dma_start3A_299] : memref<8x200xi32, #tpu.memory_space<vmem>> -> memref<1x72xi32, #tpu.memory_space<vmem>>
      %dma_start3A_301 = tpu.memref_squeeze %dma_start3A_300 : memref<1x72xi32, #tpu.memory_space<vmem>> -> memref<72xi32, #tpu.memory_space<vmem>>
      %dma_start3A_302 = arith.constant 0 : i32
      %dma_start3A_303 = arith.constant 0 : i32
      %dma_start3A_304 = tpu.memref_slice %arg3[%dma_start3A_302, %dma_start3A_303] : memref<1000000x64xf32, #tpu.memory_space<hbm>> -> memref<1000000x64xf32, #tpu.memory_space<hbm>>
      tpu.enqueue_indirect_dma source(%dma_start3A_304 : memref<1000000x64xf32, #tpu.memory_space<hbm>>) target(%dma_start3A_298 : memref<72x64xf32, #tpu.memory_space<vmem>>) offsets(%dma_start3A_301 : memref<72xi32, #tpu.memory_space<vmem>>) semaphore(%arg8 : memref<!tpu.dma_semaphore, #tpu.memory_space<semaphore_mem>>)
      %dma_start3A_305 = arith.constant 7 : i32
      %dma_start3A_306 = arith.constant 3 : i32
      %dma_start3A_307 = arith.constant 0 : i32
      %dma_start3A_308 = arith.constant 0 : i32
      %dma_start3A_309 = tpu.memref_slice %arg7[%dma_start3A_306, %dma_start3A_307, %dma_start3A_308] : memref<4x200x64xf32, #tpu.memory_space<vmem>> -> memref<1x128x64xf32, #tpu.memory_space<vmem>>
      %dma_start3A_310 = tpu.memref_squeeze %dma_start3A_309 : memref<1x128x64xf32, #tpu.memory_space<vmem>> -> memref<128x64xf32, #tpu.memory_space<vmem>>
      %dma_start3A_311 = arith.constant 0 : i32
      %dma_start3A_312 = tpu.memref_slice %arg5[%dma_start3A_305, %dma_start3A_311] : memref<8x200xi32, #tpu.memory_space<vmem>> -> memref<1x128xi32, #tpu.memory_space<vmem>>
      %dma_start3A_313 = tpu.memref_squeeze %dma_start3A_312 : memref<1x128xi32, #tpu.memory_space<vmem>> -> memref<128xi32, #tpu.memory_space<vmem>>
      %dma_start3A_314 = arith.constant 0 : i32
      %dma_start3A_315 = arith.constant 0 : i32
      %dma_start3A_316 = tpu.memref_slice %arg3[%dma_start3A_314, %dma_start3A_315] : memref<1000000x64xf32, #tpu.memory_space<hbm>> -> memref<1000000x64xf32, #tpu.memory_space<hbm>>
      tpu.enqueue_indirect_dma source(%dma_start3A_316 : memref<1000000x64xf32, #tpu.memory_space<hbm>>) target(%dma_start3A_310 : memref<128x64xf32, #tpu.memory_space<vmem>>) offsets(%dma_start3A_313 : memref<128xi32, #tpu.memory_space<vmem>>) semaphore(%arg8 : memref<!tpu.dma_semaphore, #tpu.memory_space<semaphore_mem>>)
      %dma_start3A_317 = arith.constant 7 : i32
      %dma_start3A_318 = arith.constant 3 : i32
      %dma_start3A_319 = arith.constant 128 : i32
      %dma_start3A_320 = arith.constant 0 : i32
      %dma_start3A_321 = tpu.memref_slice %arg7[%dma_start3A_318, %dma_start3A_319, %dma_start3A_320] : memref<4x200x64xf32, #tpu.memory_space<vmem>> -> memref<1x72x64xf32, #tpu.memory_space<vmem>>
      %dma_start3A_322 = tpu.memref_squeeze %dma_start3A_321 : memref<1x72x64xf32, #tpu.memory_space<vmem>> -> memref<72x64xf32, #tpu.memory_space<vmem>>
      %dma_start3A_323 = arith.constant 128 : i32
      %dma_start3A_324 = tpu.memref_slice %arg5[%dma_start3A_317, %dma_start3A_323] : memref<8x200xi32, #tpu.memory_space<vmem>> -> memref<1x72xi32, #tpu.memory_space<vmem>>
      %dma_start3A_325 = tpu.memref_squeeze %dma_start3A_324 : memref<1x72xi32, #tpu.memory_space<vmem>> -> memref<72xi32, #tpu.memory_space<vmem>>
      %dma_start3A_326 = arith.constant 0 : i32
      %dma_start3A_327 = arith.constant 0 : i32
      %dma_start3A_328 = tpu.memref_slice %arg3[%dma_start3A_326, %dma_start3A_327] : memref<1000000x64xf32, #tpu.memory_space<hbm>> -> memref<1000000x64xf32, #tpu.memory_space<hbm>>
      tpu.enqueue_indirect_dma source(%dma_start3A_328 : memref<1000000x64xf32, #tpu.memory_space<hbm>>) target(%dma_start3A_322 : memref<72x64xf32, #tpu.memory_space<vmem>>) offsets(%dma_start3A_325 : memref<72xi32, #tpu.memory_space<vmem>>) semaphore(%arg8 : memref<!tpu.dma_semaphore, #tpu.memory_space<semaphore_mem>>)
      %dma_wait3A_329 = arith.constant 4 : i32
      %dma_wait3A_330 = arith.constant 0 : i32
      %dma_wait3A_331 = arith.constant 0 : i32
      %dma_wait3A_332 = arith.constant 0 : i32
      %dma_wait3A_333 = tpu.memref_slice %arg7[%dma_wait3A_330, %dma_wait3A_331, %dma_wait3A_332] : memref<4x200x64xf32, #tpu.memory_space<vmem>> -> memref<1x128x64xf32, #tpu.memory_space<vmem>>
      %dma_wait3A_334 = tpu.memref_squeeze %dma_wait3A_333 : memref<1x128x64xf32, #tpu.memory_space<vmem>> -> memref<128x64xf32, #tpu.memory_space<vmem>>
      %dma_wait3A_335 = arith.constant 0 : i32
      %dma_wait3A_336 = tpu.memref_slice %arg5[%dma_wait3A_329, %dma_wait3A_335] : memref<8x200xi32, #tpu.memory_space<vmem>> -> memref<1x128xi32, #tpu.memory_space<vmem>>
      %dma_wait3A_337 = tpu.memref_squeeze %dma_wait3A_336 : memref<1x128xi32, #tpu.memory_space<vmem>> -> memref<128xi32, #tpu.memory_space<vmem>>
      %dma_wait3A_338 = arith.constant 0 : i32
      %dma_wait3A_339 = arith.constant 0 : i32
      %dma_wait3A_340 = tpu.memref_slice %arg3[%dma_wait3A_338, %dma_wait3A_339] : memref<1000000x64xf32, #tpu.memory_space<hbm>> -> memref<1000000x64xf32, #tpu.memory_space<hbm>>
      tpu.wait_indirect_dma semaphore(%arg8 : memref<!tpu.dma_semaphore, #tpu.memory_space<semaphore_mem>>) src(%dma_wait3A_340 : memref<1000000x64xf32, #tpu.memory_space<hbm>>) dst(%dma_wait3A_334 : memref<128x64xf32, #tpu.memory_space<vmem>>)
      %dma_wait3A_341 = arith.constant 4 : i32
      %dma_wait3A_342 = arith.constant 0 : i32
      %dma_wait3A_343 = arith.constant 128 : i32
      %dma_wait3A_344 = arith.constant 0 : i32
      %dma_wait3A_345 = tpu.memref_slice %arg7[%dma_wait3A_342, %dma_wait3A_343, %dma_wait3A_344] : memref<4x200x64xf32, #tpu.memory_space<vmem>> -> memref<1x72x64xf32, #tpu.memory_space<vmem>>
      %dma_wait3A_346 = tpu.memref_squeeze %dma_wait3A_345 : memref<1x72x64xf32, #tpu.memory_space<vmem>> -> memref<72x64xf32, #tpu.memory_space<vmem>>
      %dma_wait3A_347 = arith.constant 128 : i32
      %dma_wait3A_348 = tpu.memref_slice %arg5[%dma_wait3A_341, %dma_wait3A_347] : memref<8x200xi32, #tpu.memory_space<vmem>> -> memref<1x72xi32, #tpu.memory_space<vmem>>
      %dma_wait3A_349 = tpu.memref_squeeze %dma_wait3A_348 : memref<1x72xi32, #tpu.memory_space<vmem>> -> memref<72xi32, #tpu.memory_space<vmem>>
      %dma_wait3A_350 = arith.constant 0 : i32
      %dma_wait3A_351 = arith.constant 0 : i32
      %dma_wait3A_352 = tpu.memref_slice %arg3[%dma_wait3A_350, %dma_wait3A_351] : memref<1000000x64xf32, #tpu.memory_space<hbm>> -> memref<1000000x64xf32, #tpu.memory_space<hbm>>
      tpu.wait_indirect_dma semaphore(%arg8 : memref<!tpu.dma_semaphore, #tpu.memory_space<semaphore_mem>>) src(%dma_wait3A_352 : memref<1000000x64xf32, #tpu.memory_space<hbm>>) dst(%dma_wait3A_346 : memref<72x64xf32, #tpu.memory_space<vmem>>)
      %dma_wait3A_353 = arith.constant 5 : i32
      %dma_wait3A_354 = arith.constant 1 : i32
      %dma_wait3A_355 = arith.constant 0 : i32
      %dma_wait3A_356 = arith.constant 0 : i32
      %dma_wait3A_357 = tpu.memref_slice %arg7[%dma_wait3A_354, %dma_wait3A_355, %dma_wait3A_356] : memref<4x200x64xf32, #tpu.memory_space<vmem>> -> memref<1x128x64xf32, #tpu.memory_space<vmem>>
      %dma_wait3A_358 = tpu.memref_squeeze %dma_wait3A_357 : memref<1x128x64xf32, #tpu.memory_space<vmem>> -> memref<128x64xf32, #tpu.memory_space<vmem>>
      %dma_wait3A_359 = arith.constant 0 : i32
      %dma_wait3A_360 = tpu.memref_slice %arg5[%dma_wait3A_353, %dma_wait3A_359] : memref<8x200xi32, #tpu.memory_space<vmem>> -> memref<1x128xi32, #tpu.memory_space<vmem>>
      %dma_wait3A_361 = tpu.memref_squeeze %dma_wait3A_360 : memref<1x128xi32, #tpu.memory_space<vmem>> -> memref<128xi32, #tpu.memory_space<vmem>>
      %dma_wait3A_362 = arith.constant 0 : i32
      %dma_wait3A_363 = arith.constant 0 : i32
      %dma_wait3A_364 = tpu.memref_slice %arg3[%dma_wait3A_362, %dma_wait3A_363] : memref<1000000x64xf32, #tpu.memory_space<hbm>> -> memref<1000000x64xf32, #tpu.memory_space<hbm>>
      tpu.wait_indirect_dma semaphore(%arg8 : memref<!tpu.dma_semaphore, #tpu.memory_space<semaphore_mem>>) src(%dma_wait3A_364 : memref<1000000x64xf32, #tpu.memory_space<hbm>>) dst(%dma_wait3A_358 : memref<128x64xf32, #tpu.memory_space<vmem>>)
      %dma_wait3A_365 = arith.constant 5 : i32
      %dma_wait3A_366 = arith.constant 1 : i32
      %dma_wait3A_367 = arith.constant 128 : i32
      %dma_wait3A_368 = arith.constant 0 : i32
      %dma_wait3A_369 = tpu.memref_slice %arg7[%dma_wait3A_366, %dma_wait3A_367, %dma_wait3A_368] : memref<4x200x64xf32, #tpu.memory_space<vmem>> -> memref<1x72x64xf32, #tpu.memory_space<vmem>>
      %dma_wait3A_370 = tpu.memref_squeeze %dma_wait3A_369 : memref<1x72x64xf32, #tpu.memory_space<vmem>> -> memref<72x64xf32, #tpu.memory_space<vmem>>
      %dma_wait3A_371 = arith.constant 128 : i32
      %dma_wait3A_372 = tpu.memref_slice %arg5[%dma_wait3A_365, %dma_wait3A_371] : memref<8x200xi32, #tpu.memory_space<vmem>> -> memref<1x72xi32, #tpu.memory_space<vmem>>
      %dma_wait3A_373 = tpu.memref_squeeze %dma_wait3A_372 : memref<1x72xi32, #tpu.memory_space<vmem>> -> memref<72xi32, #tpu.memory_space<vmem>>
      %dma_wait3A_374 = arith.constant 0 : i32
      %dma_wait3A_375 = arith.constant 0 : i32
      %dma_wait3A_376 = tpu.memref_slice %arg3[%dma_wait3A_374, %dma_wait3A_375] : memref<1000000x64xf32, #tpu.memory_space<hbm>> -> memref<1000000x64xf32, #tpu.memory_space<hbm>>
      tpu.wait_indirect_dma semaphore(%arg8 : memref<!tpu.dma_semaphore, #tpu.memory_space<semaphore_mem>>) src(%dma_wait3A_376 : memref<1000000x64xf32, #tpu.memory_space<hbm>>) dst(%dma_wait3A_370 : memref<72x64xf32, #tpu.memory_space<vmem>>)
      %dma_wait3A_377 = arith.constant 6 : i32
      %dma_wait3A_378 = arith.constant 2 : i32
      %dma_wait3A_379 = arith.constant 0 : i32
      %dma_wait3A_380 = arith.constant 0 : i32
      %dma_wait3A_381 = tpu.memref_slice %arg7[%dma_wait3A_378, %dma_wait3A_379, %dma_wait3A_380] : memref<4x200x64xf32, #tpu.memory_space<vmem>> -> memref<1x128x64xf32, #tpu.memory_space<vmem>>
      %dma_wait3A_382 = tpu.memref_squeeze %dma_wait3A_381 : memref<1x128x64xf32, #tpu.memory_space<vmem>> -> memref<128x64xf32, #tpu.memory_space<vmem>>
      %dma_wait3A_383 = arith.constant 0 : i32
      %dma_wait3A_384 = tpu.memref_slice %arg5[%dma_wait3A_377, %dma_wait3A_383] : memref<8x200xi32, #tpu.memory_space<vmem>> -> memref<1x128xi32, #tpu.memory_space<vmem>>
      %dma_wait3A_385 = tpu.memref_squeeze %dma_wait3A_384 : memref<1x128xi32, #tpu.memory_space<vmem>> -> memref<128xi32, #tpu.memory_space<vmem>>
      %dma_wait3A_386 = arith.constant 0 : i32
      %dma_wait3A_387 = arith.constant 0 : i32
      %dma_wait3A_388 = tpu.memref_slice %arg3[%dma_wait3A_386, %dma_wait3A_387] : memref<1000000x64xf32, #tpu.memory_space<hbm>> -> memref<1000000x64xf32, #tpu.memory_space<hbm>>
      tpu.wait_indirect_dma semaphore(%arg8 : memref<!tpu.dma_semaphore, #tpu.memory_space<semaphore_mem>>) src(%dma_wait3A_388 : memref<1000000x64xf32, #tpu.memory_space<hbm>>) dst(%dma_wait3A_382 : memref<128x64xf32, #tpu.memory_space<vmem>>)
      %dma_wait3A_389 = arith.constant 6 : i32
      %dma_wait3A_390 = arith.constant 2 : i32
      %dma_wait3A_391 = arith.constant 128 : i32
      %dma_wait3A_392 = arith.constant 0 : i32
      %dma_wait3A_393 = tpu.memref_slice %arg7[%dma_wait3A_390, %dma_wait3A_391, %dma_wait3A_392] : memref<4x200x64xf32, #tpu.memory_space<vmem>> -> memref<1x72x64xf32, #tpu.memory_space<vmem>>
      %dma_wait3A_394 = tpu.memref_squeeze %dma_wait3A_393 : memref<1x72x64xf32, #tpu.memory_space<vmem>> -> memref<72x64xf32, #tpu.memory_space<vmem>>
      %dma_wait3A_395 = arith.constant 128 : i32
      %dma_wait3A_396 = tpu.memref_slice %arg5[%dma_wait3A_389, %dma_wait3A_395] : memref<8x200xi32, #tpu.memory_space<vmem>> -> memref<1x72xi32, #tpu.memory_space<vmem>>
      %dma_wait3A_397 = tpu.memref_squeeze %dma_wait3A_396 : memref<1x72xi32, #tpu.memory_space<vmem>> -> memref<72xi32, #tpu.memory_space<vmem>>
      %dma_wait3A_398 = arith.constant 0 : i32
      %dma_wait3A_399 = arith.constant 0 : i32
      %dma_wait3A_400 = tpu.memref_slice %arg3[%dma_wait3A_398, %dma_wait3A_399] : memref<1000000x64xf32, #tpu.memory_space<hbm>> -> memref<1000000x64xf32, #tpu.memory_space<hbm>>
      tpu.wait_indirect_dma semaphore(%arg8 : memref<!tpu.dma_semaphore, #tpu.memory_space<semaphore_mem>>) src(%dma_wait3A_400 : memref<1000000x64xf32, #tpu.memory_space<hbm>>) dst(%dma_wait3A_394 : memref<72x64xf32, #tpu.memory_space<vmem>>)
      %dma_wait3A_401 = arith.constant 7 : i32
      %dma_wait3A_402 = arith.constant 3 : i32
      %dma_wait3A_403 = arith.constant 0 : i32
      %dma_wait3A_404 = arith.constant 0 : i32
      %dma_wait3A_405 = tpu.memref_slice %arg7[%dma_wait3A_402, %dma_wait3A_403, %dma_wait3A_404] : memref<4x200x64xf32, #tpu.memory_space<vmem>> -> memref<1x128x64xf32, #tpu.memory_space<vmem>>
      %dma_wait3A_406 = tpu.memref_squeeze %dma_wait3A_405 : memref<1x128x64xf32, #tpu.memory_space<vmem>> -> memref<128x64xf32, #tpu.memory_space<vmem>>
      %dma_wait3A_407 = arith.constant 0 : i32
      %dma_wait3A_408 = tpu.memref_slice %arg5[%dma_wait3A_401, %dma_wait3A_407] : memref<8x200xi32, #tpu.memory_space<vmem>> -> memref<1x128xi32, #tpu.memory_space<vmem>>
      %dma_wait3A_409 = tpu.memref_squeeze %dma_wait3A_408 : memref<1x128xi32, #tpu.memory_space<vmem>> -> memref<128xi32, #tpu.memory_space<vmem>>
      %dma_wait3A_410 = arith.constant 0 : i32
      %dma_wait3A_411 = arith.constant 0 : i32
      %dma_wait3A_412 = tpu.memref_slice %arg3[%dma_wait3A_410, %dma_wait3A_411] : memref<1000000x64xf32, #tpu.memory_space<hbm>> -> memref<1000000x64xf32, #tpu.memory_space<hbm>>
      tpu.wait_indirect_dma semaphore(%arg8 : memref<!tpu.dma_semaphore, #tpu.memory_space<semaphore_mem>>) src(%dma_wait3A_412 : memref<1000000x64xf32, #tpu.memory_space<hbm>>) dst(%dma_wait3A_406 : memref<128x64xf32, #tpu.memory_space<vmem>>)
      %dma_wait3A_413 = arith.constant 7 : i32
      %dma_wait3A_414 = arith.constant 3 : i32
      %dma_wait3A_415 = arith.constant 128 : i32
      %dma_wait3A_416 = arith.constant 0 : i32
      %dma_wait3A_417 = tpu.memref_slice %arg7[%dma_wait3A_414, %dma_wait3A_415, %dma_wait3A_416] : memref<4x200x64xf32, #tpu.memory_space<vmem>> -> memref<1x72x64xf32, #tpu.memory_space<vmem>>
      %dma_wait3A_418 = tpu.memref_squeeze %dma_wait3A_417 : memref<1x72x64xf32, #tpu.memory_space<vmem>> -> memref<72x64xf32, #tpu.memory_space<vmem>>
      %dma_wait3A_419 = arith.constant 128 : i32
      %dma_wait3A_420 = tpu.memref_slice %arg5[%dma_wait3A_413, %dma_wait3A_419] : memref<8x200xi32, #tpu.memory_space<vmem>> -> memref<1x72xi32, #tpu.memory_space<vmem>>
      %dma_wait3A_421 = tpu.memref_squeeze %dma_wait3A_420 : memref<1x72xi32, #tpu.memory_space<vmem>> -> memref<72xi32, #tpu.memory_space<vmem>>
      %dma_wait3A_422 = arith.constant 0 : i32
      %dma_wait3A_423 = arith.constant 0 : i32
      %dma_wait3A_424 = tpu.memref_slice %arg3[%dma_wait3A_422, %dma_wait3A_423] : memref<1000000x64xf32, #tpu.memory_space<hbm>> -> memref<1000000x64xf32, #tpu.memory_space<hbm>>
      tpu.wait_indirect_dma semaphore(%arg8 : memref<!tpu.dma_semaphore, #tpu.memory_space<semaphore_mem>>) src(%dma_wait3A_424 : memref<1000000x64xf32, #tpu.memory_space<hbm>>) dst(%dma_wait3A_418 : memref<72x64xf32, #tpu.memory_space<vmem>>)
      %add3A_425 = arith.constant 4 : i32
      %add3A_426 = arith.addi %add3A_28, %add3A_425 : i32
      %dma_start3A_427 = arith.constant 0 : i32
      %dma_start3A_428 = arith.constant 0 : i32
      %dma_start3A_429 = tpu.memref_slice %arg4[%add3A_426, %dma_start3A_427, %dma_start3A_428] : memref<4096x200x64xf32, #tpu.memory_space<hbm>> -> memref<4x200x64xf32, #tpu.memory_space<hbm>>
      %dma_start3A_430 = arith.constant 0 : i32
      %dma_start3A_431 = arith.constant 0 : i32
      %dma_start3A_432 = tpu.memref_slice %arg4[%add3A_426, %dma_start3A_430, %dma_start3A_431] : memref<4096x200x64xf32, #tpu.memory_space<hbm>> -> memref<4x200x64xf32, #tpu.memory_space<hbm>>
      tpu.enqueue_dma source(%arg7 : memref<4x200x64xf32, #tpu.memory_space<vmem>>) target(%dma_start3A_432 : memref<4x200x64xf32, #tpu.memory_space<hbm>>) target_semaphore(%arg10 : memref<!tpu.dma_semaphore, #tpu.memory_space<semaphore_mem>>)
    }
    %scan3A_7 = arith.constant 16 : i32
    %dma_wait3A = arith.constant 0 : i32
    %dma_wait3A_8 = arith.constant 0 : i32
    %dma_wait3A_9 = arith.constant 0 : i32
    %dma_wait3A_10 = tpu.memref_slice %arg4[%dma_wait3A, %dma_wait3A_8, %dma_wait3A_9] : memref<4096x200x64xf32, #tpu.memory_space<hbm>> -> memref<4x200x64xf32, #tpu.memory_space<hbm>>
    %dma_wait3A_11 = arith.constant 0 : i32
    %dma_wait3A_12 = arith.constant 0 : i32
    %dma_wait3A_13 = arith.constant 0 : i32
    %dma_wait3A_14 = tpu.memref_slice %arg4[%dma_wait3A_11, %dma_wait3A_12, %dma_wait3A_13] : memref<4096x200x64xf32, #tpu.memory_space<hbm>> -> memref<4x200x64xf32, #tpu.memory_space<hbm>>
    tpu.wait_dma2 semaphore(%arg9 : memref<!tpu.dma_semaphore, #tpu.memory_space<semaphore_mem>>) src(%arg6 : memref<4x200x64xf32, #tpu.memory_space<vmem>>) dst(%dma_wait3A_14 : memref<4x200x64xf32, #tpu.memory_space<hbm>>)
    %dma_wait3A_15 = arith.constant 0 : i32
    %dma_wait3A_16 = arith.constant 0 : i32
    %dma_wait3A_17 = arith.constant 0 : i32
    %dma_wait3A_18 = tpu.memref_slice %arg4[%dma_wait3A_15, %dma_wait3A_16, %dma_wait3A_17] : memref<4096x200x64xf32, #tpu.memory_space<hbm>> -> memref<4x200x64xf32, #tpu.memory_space<hbm>>
    %dma_wait3A_19 = arith.constant 0 : i32
    %dma_wait3A_20 = arith.constant 0 : i32
    %dma_wait3A_21 = arith.constant 0 : i32
    %dma_wait3A_22 = tpu.memref_slice %arg4[%dma_wait3A_19, %dma_wait3A_20, %dma_wait3A_21] : memref<4096x200x64xf32, #tpu.memory_space<hbm>> -> memref<4x200x64xf32, #tpu.memory_space<hbm>>
    tpu.wait_dma2 semaphore(%arg10 : memref<!tpu.dma_semaphore, #tpu.memory_space<semaphore_mem>>) src(%arg7 : memref<4x200x64xf32, #tpu.memory_space<vmem>>) dst(%dma_wait3A_22 : memref<4x200x64xf32, #tpu.memory_space<hbm>>)
    return
  }
}

</mosaic_0001>

<sc_bundles>
// kernel: kernel.3.cloned.1.call-start
scs
__scs_entry_jumppad:
0x0: {  	(pc) =	sbr.rel $0x88, $3  }
0x1: {  	(tag) =	ssettag $0x0;
	lr =	simm.s32 $0x1  }
0x2: {  	[smem:$0x3F9F] =	sst lr;
	_ =	strace $0xD0000000  }
0x3: {  	_ = 	snop  }
0x4: {  	_ = 	snop  }
0x5: {  	_ = 	snop  }
0x6: {  	_ = 	snop  }
0x7: {  	_ = 	snop  }
__scs_overlays_trampoline_lowered:
0x8: {  	[smem:$0x3FAE] =	sst s0  }
0x9: {  	[smem:$0x3FAF] =	sst s1  }
0xa: {  	[smem:$0x3FB0] =	sst s2  }
0xb: {  	[smem:$0x3FB1] =	sst s3  }
0xc: {  	[smem:$0x3FB2] =	sst s4  }
0xd: {  	[smem:$0x3FB3] =	sst s5  }
0xe: {  	[smem:$0x3FB4] =	sst s6  }
0xf: {  	[smem:$0x3FB5] =	sst s7  }
0x10: {  	[smem:$0x3FB6] =	sst s8  }
0x11: {  	[smem:$0x3FB7] =	sst s9;
	s0 =	simm.s32 @!p0 $0x0  }
0x12: {  	s1 =	sld [smem:$0x3F9D];
	s0 =	simm.s32 @p0 $0x1  }
0x13: {  	[smem:$0x3FB8] =	sst s0;
	s0 =	simm.s32 @!p1 $0x0  }
0x14: {  	s2 =	sld [smem:$0x3F9C];
	s0 =	simm.s32 @p1 $0x1  }
0x15: {  	[smem:$0x3FB9] =	sst s0;
	s0 =	simm.s32 @!p2 $0x0  }
0x16: {  	s3 =	sld [smem:$0x3FDB];
	s0 =	simm.s32 @p2 $0x1  }
0x17: {  	s4 =	simm.s32 $0x1BF5;
	[smem:$0x3FBB] =	sst s0  }
0x18: {  	s0 =	sld [smem:$0x3F9E];
	_ =	swait.ge [sflag:s4], $0x0  }
0x19: {  	s7 =	sld [smem:$0x3F9F]  }
0x1a: {  	s8 =	sadd.s32 $0xFFFFE003, lr  }
0x1b: {  	s9 =	sadd.s32 $0xFFFFFEF7, lr;
	s5 =	simm.s32 $0xFFFFFFFF;
	p2 =	slt.u32 s8, $0xFFFFF086  }
0x1c: {  	p1 =	slt.u32 s9, $0xF7A;
	s5 =	simm.s32 @!p2 $0x0  }
0x1d: {  	s5 =	simm.s32 @p1 $0x1;
	p0 =	seq.s32 s7, s2  }
0x1e: {  	s7 =	smul.u32 @!p0 $0xF7A, s2;
	p2 =	seq.s32 @!p0 s5, $0x0  }
0x1f: {  	s9 =	smul.u32 $0xF7A, s1;
	s8 =	simm.s32 @!p0 $0x1BF5;
	p2 =	por !p2, p0  }
0x20: {  	[sflag:s8] =	ssyncset.s32 @!p0 $0xFFFFF086;
	s6 =	sadd.s32 @!p0 s3, s7;
	s7 =	simm.s32 @!p0 $0x108  }
0x21: {  	s3 =	sadd.s32 s3, s9;
	s6 =	sadd.s32 @!p0 $0x88, s6;
	s7 =	simm.s32 @p2 $0x1082  }
0x22: {  	[simem:s7], [sflag:s8] =	dma.local @!p0 [hbm:s6], $0xF7A  }
0x23: {  	s9 =	sor.u32 $0xD0000000, s2;
	s6 =	simm.s32 $0x108;
	_ =	swait.ge @!p0 [sflag:s8], $0x0  }
0x24: {  	s3 =	sadd.s32 $0x88, s3;
	s6 =	simm.s32 @!p1 $0x1082;
	[sflag:s4] =	ssyncset.s32 $0xFFFFF086  }
0x25: {  	[simem:s6], [sflag:s4] =	dma.local [hbm:s3], $0xF7A  }
0x26: {  	[smem:$0x3F9F] =	sst s1;
	(tag) =	ssettag s2;
	_ =	strace s9  }
0x27: {  	s1 =	sld [smem:$0x3FAF]  }
0x28: {  	s2 =	sld [smem:$0x3FB0]  }
0x29: {  	s4 =	sld [smem:$0x3FB2]  }
0x2a: {  	p0 =	seq.s32 s5, $0x0;
	s5 =	sld [smem:$0x3FB3]  }
0x2b: {  	s6 =	sld [smem:$0x3FB4]  }
0x2c: {  	s7 =	sld [smem:$0x3FB5]  }
0x2d: {  	s3 =	simm.s32 $0x108;
	s8 =	sld [smem:$0x3FB6]  }
0x2e: {  	s3 =	simm.s32 @!p0 $0x1082;
	s9 =	sld [smem:$0x3FB7]  }
0x2f: {  	lr =	sadd.s32 s0, s3;
	s0 =	sld [smem:$0x3FAE]  }
0x30: {  	s3 =	sld [smem:$0x3FB1]  }
0x31: {  	[smem:$0x3FBA] =	sst s10  }
0x32: {  	s10 =	sld [smem:$0x3FB8];
	_ =	sdelay $0x3  }
0x33: {  	p0 =	seq.s32 s10, $0x1;
	s10 =	sld [smem:$0x3FBA];
	_ =	sdelay $0x3  }
0x34: {  	[smem:$0x3FBA] =	sst s10  }
0x35: {  	s10 =	sld [smem:$0x3FB9];
	_ =	sdelay $0x3  }
0x36: {  	p1 =	seq.s32 s10, $0x1;
	s10 =	sld [smem:$0x3FBA];
	_ =	sdelay $0x3  }
0x37: {  	[smem:$0x3FBA] =	sst s10  }
0x38: {  	s10 =	sld [smem:$0x3FBB]  }
0x39: {  	_ = 	snop;
	(pc) =	sbr.ind lr, $3  }
0x3a: {  	_ = 	snop  }
0x3b: {  	_ = 	snop  }
0x3c: {  	p2 =	seq.s32 s10, $0x1;
	s10 =	sld [smem:$0x3FBA]  }
0x3d: {  	_ =	shalt  }
0x3e: {  	_ =	shalt  }
0x3f: {  	_ =	shalt  }
0x40: {  	_ =	shalt  }
0x41: {  	_ =	shalt  }
0x42: {  	_ =	shalt  }
0x43: {  	_ =	shalt  }
0x44: {  	_ =	shalt  }
0x45: {  	_ =	shalt  }
0x46: {  	_ =	shalt  }
0x47: {  	_ =	shalt  }
0x48: {  	_ =	shalt  }
0x49: {  	_ =	shalt  }
0x4a: {  	_ =	shalt  }
0x4b: {  	_ =	shalt  }
0x4c: {  	_ =	shalt  }
0x4d: {  	_ =	shalt  }
0x4e: {  	_ =	shalt  }
0x4f: {  	_ =	shalt  }
0x50: {  	_ =	shalt  }
0x51: {  	_ =	shalt  }
0x52: {  	_ =	shalt  }
0x53: {  	_ =	shalt  }
0x54: {  	_ =	shalt  }
0x55: {  	_ =	shalt  }
0x56: {  	_ =	shalt  }
0x57: {  	_ =	shalt  }
0x58: {  	_ =	shalt  }
0x59: {  	_ =	shalt  }
0x5a: {  	_ =	shalt  }
0x5b: {  	_ =	shalt  }
0x5c: {  	_ =	shalt  }
0x5d: {  	_ =	shalt  }
0x5e: {  	_ =	shalt  }
0x5f: {  	_ =	shalt  }
0x60: {  	_ =	shalt  }
0x61: {  	_ =	shalt  }
0x62: {  	_ =	shalt  }
0x63: {  	_ =	shalt  }
0x64: {  	_ =	shalt  }
0x65: {  	_ =	shalt  }
0x66: {  	_ =	shalt  }
0x67: {  	_ =	shalt  }
0x68: {  	_ =	shalt  }
0x69: {  	_ =	shalt  }
0x6a: {  	_ =	shalt  }
0x6b: {  	_ =	shalt  }
0x6c: {  	_ =	shalt  }
0x6d: {  	_ =	shalt  }
0x6e: {  	_ =	shalt  }
0x6f: {  	_ =	shalt  }
0x70: {  	_ =	shalt  }
0x71: {  	_ =	shalt  }
0x72: {  	_ =	shalt  }
0x73: {  	_ =	shalt  }
0x74: {  	_ =	shalt  }
0x75: {  	_ =	shalt  }
0x76: {  	_ =	shalt  }
0x77: {  	_ =	shalt  }
0x78: {  	_ =	shalt  }
0x79: {  	_ =	shalt  }
0x7a: {  	_ =	shalt  }
0x7b: {  	_ =	shalt  }
0x7c: {  	_ =	shalt  }
0x7d: {  	_ =	shalt  }
0x7e: {  	_ =	shalt  }
0x7f: {  	_ =	shalt  }
0x80: {  	_ =	shalt  }
0x81: {  	_ =	shalt  }
0x82: {  	_ =	shalt  }
0x83: {  	_ =	shalt  }
0x84: {  	_ =	shalt  }
0x85: {  	_ =	shalt  }
0x86: {  	_ =	shalt  }
0x87: {  	_ =	shalt  }
.Lfunc_end0:
.L_simem_size_0:
called_computation.1_lowered:
.L_overlay_start_0:
0x88: {  	s2 =	sld [smem:$0x3FD9]  }
0x89: {  	s3 =	sld [smem:$0x3FFE];
	_ =	sdelay $0x1  }
0x8a: {  	s1 =	srdreg.scid  }
0x8b: {  	s0 =	sand.u32 $0x1, s1  }
0x8c: {  	s17 =	sshll.u32 s0, $0xA;
	s2 =	sadd.s32 s3, s2  }
0x8d: {  	s2 =	sadd.s32 s2, s17  }
0x8e: {  	[smem:$0x3FC6] =	sst s2  }
0x8f: {  	_ = 	snop  }
0x90: {  	s2 =	sld [smem:$0x3FD0];
	(tm) =	ssettm $0x1  }
0x91: {  	s18 =	sld [smem:$0x3FFB];
	_ =	sdelay $0x3  }
0x92: {  	_ =	strace s18  }
0x93: {  	s3 =	sld [smem:$0x3FFC];
	_ =	sdelay $0x3  }
0x94: {  	_ =	strace s3  }
0x95: {  	s3 =	sld [smem:$0x3FFD];
	_ =	sdelay $0x3  }
0x96: {  	_ =	strace s3  }
0x97: {  	_ =	strace $0x8FFFFFFF  }
0x98: {  	s19 =	sld [smem:$0x3FDB];
	_ =	sdelay $0x1  }
0x99: {  	s4 =	simm.s32 $_scs_section_size  }
0x9a: {  	s5 =	simm.s32 $_size__tile_overlayer_lowered;
	s6 =	simm.s32 $_tile_overlayer_lowered  }
0x9b: {  	s22 =	simm.s32 $0x1BFF;
	s21 =	sshll.u32 s6, $0x1;
	s3 =	sadd.s32 s4, s19  }
0x9c: {  	s7 =	simm.s32 $0x0;
	s20 =	sshll.u32 s5, $0x1;
	s5 =	sadd.s32 s21, s3  }
0x9d: {  	[timem:s7], [sflag:s22] =	dma.local [hbm:s5], s20  }
0x9e: {  	_ =	swait.ge [sflag:s22], s20  }
0x9f: {  	s4 =	ssub.s32 $0x0, s20;
	[sflag:s22] =	ssyncset.done $0x0  }
0xa0: {  	[sflag:s22] =	ssyncadd.s32 s4;
	_ =	sdelay $0x1  }
0xa1: {  	s23 =	simm.s32 $0x1B8B  }
0xa2: {  	_ =	swait.ge [sflag:s23], $0x1  }
0xa3: {  	[sflag:s23] =	ssyncset.done $0x0  }
0xa4: {  	s25 =	simm.s32 $0x1B8E;
	s24 =	sld [smem:$0x3FFE];
	[sflag:s23] =	ssyncadd.s32 $0xFFFFFFFF  }
0xa5: {  	s26 =	simm.s32 $execute0_lowered;
	[smem:$0x3FD2] =	sst s25  }
0xa6: {  	s5 =	sshll.u32 s26, $0x1;
	_ =	strace $0x80000046;
	[dreg:$0x1] =	wrdreg $0xFFFFFFFF  }
0xa7: {  	s28 =	simm.s32 $_size_execute0_lowered;
	s3 =	sadd.s32 s3, s5;
	[dreg:$0x0] =	wrdreg $0x0  }
0xa8: {  	s5 =	sshll.u32 s28, $0x1;
	[dreg:$0x2] =	wrdreg s3  }
0xa9: {  	[dreg:$0x3] =	wrdreg s5  }
0xaa: {  	[dreg:$0x4] =	wrdreg $0xC0  }
0xab: {  	_ =	task [dreg:s7], $0x5FFFF  }
0xac: {  	[dreg:$0x1] =	wrdreg $0xFFFFFFFF  }
0xad: {  	[dreg:$0x0] =	wrdreg $0x60  }
0xae: {  	[dreg:$0x2] =	wrdreg s24  }
0xaf: {  	[dreg:$0x3] =	wrdreg s2  }
0xb0: {  	[dreg:$0x4] =	wrdreg $0x9  }
0xb1: {  	_ =	task.clear_ibuf [dreg:s7], $0x5FFFF;
	_ =	strace $0x90000046  }
0xb2: {  	s29 =	simm.s32 $0x9;
	_ =	strace $0x80000048  }
0xb3: {  	_ =	swait.ge [sflag:s29], $0x1  }
0xb4: {  	[sflag:s29] =	ssyncadd.s32 $0xFFFFFFFF  }
0xb5: {  	_ =	strace $0x90000048  }
0xb6: {  	_ =	sfence  }
0xb7: {  	s30 =	sld [smem:$0x0];
	_ =	sdelay $0x2  }
0xb8: {  	s31 =	sshll.u32 s1, $0xD;
	s1 =	sshrl.u32 s1, $0x2  }
0xb9: {  	s3 =	sand.u32 $0x4000, s31;
	s1 =	sadd.s32 s1, s30  }
0xba: {  	s0 =	sor.u32 s3, s0;
	s1 =	sshll.u32 s1, $0x11  }
0xbb: {  	s0 =	sor.u32 s1, s0  }
0xbc: {  	s0 =	sadd.s32 $0x8F2B, s0  }
0xbd: {  	[sflag:s0] =	ssyncadd.remote.s32 $0x1  }
0xbe: {  	_ =	sfence.sel $0xFFFF  }
0xbf: {  	[dreg:$0x0] =	wrdreg $0xFFFFFFFF;
	(pc) =	sbr.abs _section_cstart, $3  }
0xc0: {  	[dreg:$0x1] =	wrdreg $0xFFFFFFFF  }
0xc1: {  	_ =	task.clear_ibuf [dreg:s7], $0x2FFFF;
	_ =	strace $0x9FFFFFFF  }
0xc2: {  	(tm) =	ssettm $0x7FFFFFFF  }
0xc3: {  	_ =	shalt  }
tec
execute0_lowered:
.L_overlay_start_1:
0x0: {  	(tag) =	ssettag $0x1  }
0x1: {  	s0 =	stileid.u32;
	s1 =	srdreg.scid  }
0x2: {  	s4 =	sand.u32 $0x1, s1;
	s2 =	smul.u32 $0x320000, s0  }
0x3: {  	s3 =	rddreg [dreg:$0x0];
	s5 =	smul.u32 $0x190000, s4  }
0x4: {  	s6 =	rddreg [dreg:$0x1]  }
0x5: {  	s1 =	rddreg [dreg:$0x2];
	s5 =	sadd.s32 s5, s2;
	s2 =	simm.s32 $0x0  }
0x6: {  	s13 =	simm.s32 $0x640;
	[smem:$0x7FF] =	sst s2  }
0x7: {  	s14 =	simm.s32 $0x320;
	_ =	strace $0x80000047;
	[dreg:$0x5] =	wrdreg s13  }
0x8: {  	s16 =	simm.s32 $0x3A0;
	[dreg:$0x6] =	wrdreg s14  }
0x9: {  	s17 =	simm.s32 $0xEE40;
	[dreg:$0x7] =	wrdreg s16  }
0xa: {  	s18 =	simm.s32 $0x3E8;
	[dreg:$0x8] =	wrdreg s17  }
0xb: {  	s19 =	simm.s32 $0x10040;
	[dreg:$0x9] =	wrdreg s18  }
0xc: {  	s21 =	simm.s32 $0x468;
	s23 =	simm.s32 $0x12040;
	[dreg:$0xa] =	wrdreg s19  }
0xd: {  	s24 =	simm.s32 $0x4B0;
	s26 =	simm.s32 $0x13240;
	[dreg:$0xb] =	wrdreg s21  }
0xe: {  	s28 =	simm.s32 $0x530;
	s29 =	simm.s32 $0x15240;
	[dreg:$0xc] =	wrdreg s23  }
0xf: {  	s30 =	simm.s32 $0x578;
	s31 =	simm.s32 $0x16440;
	[dreg:$0xd] =	wrdreg s24  }
0x10: {  	s9 =	simm.s32 $0x5F8;
	s7 =	smul.u32 $0x64000, s0;
	[dreg:$0xe] =	wrdreg s26  }
0x11: {  	s11 =	simm.s32 $0x18440;
	s15 =	smul.u32 $0x1900, s0;
	[dreg:$0xf] =	wrdreg s28  }
0x12: {  	s10 =	simm.s32 $0x48;
	s8 =	smul.u32 $0x32000, s4;
	[dreg:$0x10] =	wrdreg s29  }
0x13: {  	s20 =	ssub.s32 $0x2, s4;
	s25 =	smul.u32 $0xC80, s4;
	[dreg:$0x11] =	wrdreg s30  }
0x14: {  	s22 =	sshrl.u32 s20, $0x1;
	s5 =	sor.u32 $0xC800, s5;
	[dreg:$0x12] =	wrdreg s31  }
0x15: {  	s5 =	sshrl.u32 s5, $0x3;
	[dreg:$0x13] =	wrdreg s9;
	s9 =	simm.s32 $0xCE40  }
0x16: {  	[dreg:$0x14] =	wrdreg s11;
	s11 =	simm.s32 $0x2;
	s13 =	simm.s32 $0x0  }
0x17: {  	s5 =	sadd.s32 s5, s6;
	s6 =	sadd.s32 s7, s6;
	s7 =	ssub.s32 s20, s22  }
0x18: {  	[dreg:$0x3] =	wrdreg s5;
	s12 =	sadd.s32 s8, s6;
	s6 =	sadd.s32 s15, s3  }
0x19: {  	s3 =	sadd.s32 $0xF42E00, s3;
	s4 =	smax.u32 s7, $0x1;
	s7 =	simm.s32 $0x1  }
0x1a: {  	s8 =	simm.s32 $0x80;
	[dreg:$0x4] =	wrdreg s12;
	s6 =	sadd.s32 s25, s6  }
0x1b: {  	s12 =	simm.s32 $0x3;
	s5 =	sadd.s32 $0xA00, s6;
	s6 =	simm.s32 $0x4  }
.LBB2_1:
0x1c: {  	[tilespmem:s2], [sflag:$0x4] =	stream.linear.gather [hbm4b:s5+s2], $0x640, $0x38;
	[tilespmem:$0x19640] =	vst v63  }
0x1d: {  	p0 =	por $0x1, $0x1;
	_ =	swait.ge [sflag:s6], $0x640  }
0x1e: {  	s14 =	simm.s32 @p0 $0x80;
	[sflag:s6] =	ssyncset.done $0x0  }
0x1f: {  	s15 =	simm.s32 @p0 $0x0;
	s16 =	simm.s32 @p0 $0x640;
	[sflag:s6] =	ssyncadd.s32 $0xFFFFF9C0  }
0x20: {  	[tilespmem:s16], [sflag:$0x1] =	stream.indirect.gather @p0 [hbm4b:s3+s14], $0x40, s15, s14, $0xb8;
	[tilespmem:$0x19640] =	vst v63  }
0x21: {  	s15 =	simm.s32 @p0 $0x48;
	s16 =	simm.s32 @p0 $0x2640  }
0x22: {  	[tilespmem:s16], [sflag:$0x1] =	stream.indirect.gather @p0 [hbm4b:s3+s15], $0x40, s14, s15, $0xb8;
	[tilespmem:$0x19640] =	vst v63  }
0x23: {  	s17 =	simm.s32 @p0 $0x3840;
	s16 =	simm.s32 @p0 $0xC8  }
0x24: {  	[tilespmem:s17], [sflag:$0x1] =	stream.indirect.gather @p0 [hbm4b:s3+s14], $0x40, s16, s14, $0xb8;
	[tilespmem:$0x19640] =	vst v63  }
0x25: {  	s16 =	simm.s32 @p0 $0x148;
	s17 =	simm.s32 @p0 $0x5840  }
0x26: {  	[tilespmem:s17], [sflag:$0x1] =	stream.indirect.gather @p0 [hbm4b:s3+s15], $0x40, s16, s15, $0xb8;
	[tilespmem:$0x19640] =	vst v63  }
0x27: {  	s16 =	simm.s32 @p0 $0x190;
	s17 =	simm.s32 @p0 $0x6A40  }
0x28: {  	[tilespmem:s17], [sflag:$0x1] =	stream.indirect.gather @p0 [hbm4b:s3+s14], $0x40, s16, s14, $0xb8;
	[tilespmem:$0x19640] =	vst v63  }
0x29: {  	s16 =	simm.s32 @p0 $0x210;
	s17 =	simm.s32 @p0 $0x8A40  }
0x2a: {  	[tilespmem:s17], [sflag:$0x1] =	stream.indirect.gather @p0 [hbm4b:s3+s15], $0x40, s16, s15, $0xb8;
	[tilespmem:$0x19640] =	vst v63  }
0x2b: {  	s16 =	simm.s32 @p0 $0x258;
	s17 =	simm.s32 @p0 $0x9C40  }
0x2c: {  	[tilespmem:s17], [sflag:$0x1] =	stream.indirect.gather @p0 [hbm4b:s3+s14], $0x40, s16, s14, $0xb8;
	[tilespmem:$0x19640] =	vst v63  }
0x2d: {  	s14 =	simm.s32 @p0 $0x2D8;
	s16 =	simm.s32 @p0 $0xBC40;
	s17 =	simm.s32 @!p0 $0x2  }
0x2e: {  	[tilespmem:s16], [sflag:$0x1] =	stream.indirect.gather @p0 [hbm4b:s3+s15], $0x40, s14, s15, $0xb8;
	[tilespmem:$0x19640] =	vst v63  }
0x2f: {  	_ =	swait.ge @!p0 [sflag:s17], $0xC800  }
0x30: {  	s14 =	simm.s32 @!p0 $0x640;
	[sflag:s17] =	ssyncset.done @!p0 $0x0  }
0x31: {  	s15 =	simm.s32 @!p0 $0x80;
	s16 =	simm.s32 @!p0 $0x0;
	[sflag:s17] =	ssyncadd.s32 @!p0 $0xFFFF3800  }
0x32: {  	[tilespmem:s14], [sflag:$0x1] =	stream.indirect.gather @!p0 [hbm4b:s3+s15], $0x40, s16, s15, $0xb8;
	[tilespmem:$0x19640] =	vst v63  }
0x33: {  	s14 =	simm.s32 @!p0 $0x48;
	s16 =	simm.s32 @!p0 $0x2640  }
0x34: {  	[tilespmem:s16], [sflag:$0x1] =	stream.indirect.gather @!p0 [hbm4b:s3+s14], $0x40, s15, s14, $0xb8;
	[tilespmem:$0x19640] =	vst v63  }
0x35: {  	s17 =	simm.s32 @!p0 $0x3840;
	s16 =	simm.s32 @!p0 $0xC8  }
0x36: {  	[tilespmem:s17], [sflag:$0x1] =	stream.indirect.gather @!p0 [hbm4b:s3+s15], $0x40, s16, s15, $0xb8;
	[tilespmem:$0x19640] =	vst v63  }
0x37: {  	s16 =	simm.s32 @!p0 $0x148;
	s17 =	simm.s32 @!p0 $0x5840  }
0x38: {  	[tilespmem:s17], [sflag:$0x1] =	stream.indirect.gather @!p0 [hbm4b:s3+s14], $0x40, s16, s14, $0xb8;
	[tilespmem:$0x19640] =	vst v63  }
0x39: {  	s16 =	simm.s32 @!p0 $0x190;
	s17 =	simm.s32 @!p0 $0x6A40  }
0x3a: {  	[tilespmem:s17], [sflag:$0x1] =	stream.indirect.gather @!p0 [hbm4b:s3+s15], $0x40, s16, s15, $0xb8;
	[tilespmem:$0x19640] =	vst v63  }
0x3b: {  	s16 =	simm.s32 @!p0 $0x210;
	s17 =	simm.s32 @!p0 $0x8A40  }
0x3c: {  	[tilespmem:s17], [sflag:$0x1] =	stream.indirect.gather @!p0 [hbm4b:s3+s14], $0x40, s16, s14, $0xb8;
	[tilespmem:$0x19640] =	vst v63  }
0x3d: {  	s16 =	simm.s32 @!p0 $0x258;
	s17 =	simm.s32 @!p0 $0x9C40  }
0x3e: {  	[tilespmem:s17], [sflag:$0x1] =	stream.indirect.gather @!p0 [hbm4b:s3+s15], $0x40, s16, s15, $0xb8;
	[tilespmem:$0x19640] =	vst v63  }
0x3f: {  	s15 =	simm.s32 @!p0 $0x2D8;
	s16 =	simm.s32 @!p0 $0xBC40;
	s17 =	simm.s32 @!p0 $0x3  }
0x40: {  	[tilespmem:s16], [sflag:$0x1] =	stream.indirect.gather @!p0 [hbm4b:s3+s14], $0x40, s15, s14, $0xb8;
	[tilespmem:$0x19640] =	vst v63  }
0x41: {  	_ =	swait.ge @!p0 [sflag:s17], $0xC800  }
0x42: {  	[sflag:s17] =	ssyncset.done @!p0 $0x0  }
0x43: {  	[sflag:s17] =	ssyncadd.s32 @!p0 $0xFFFF3800  }
0x44: {  	_ =	swait.ge [sflag:s7], $0x2000  }
0x45: {  	[sflag:s7] =	ssyncset.done $0x0  }
0x46: {  	[sflag:s7] =	ssyncadd.s32 $0xFFFFE000  }
0x47: {  	_ =	swait.ge [sflag:s7], $0x1200  }
0x48: {  	[sflag:s7] =	ssyncset.done $0x0  }
0x49: {  	[sflag:s7] =	ssyncadd.s32 $0xFFFFEE00  }
0x4a: {  	_ =	swait.ge [sflag:s7], $0x2000  }
0x4b: {  	[sflag:s7] =	ssyncset.done $0x0  }
0x4c: {  	[sflag:s7] =	ssyncadd.s32 $0xFFFFE000  }
0x4d: {  	_ =	swait.ge [sflag:s7], $0x1200  }
0x4e: {  	[sflag:s7] =	ssyncset.done $0x0  }
0x4f: {  	[sflag:s7] =	ssyncadd.s32 $0xFFFFEE00  }
0x50: {  	_ =	swait.ge [sflag:s7], $0x2000  }
0x51: {  	[sflag:s7] =	ssyncset.done $0x0  }
0x52: {  	[sflag:s7] =	ssyncadd.s32 $0xFFFFE000  }
0x53: {  	_ =	swait.ge [sflag:s7], $0x1200  }
0x54: {  	[sflag:s7] =	ssyncset.done $0x0  }
0x55: {  	[sflag:s7] =	ssyncadd.s32 $0xFFFFEE00  }
0x56: {  	_ =	swait.ge [sflag:s7], $0x2000  }
0x57: {  	[sflag:s7] =	ssyncset.done $0x0  }
0x58: {  	[sflag:s7] =	ssyncadd.s32 $0xFFFFE000  }
0x59: {  	_ =	swait.ge [sflag:s7], $0x1200  }
0x5a: {  	s14 =	rddreg [dreg:$0x12]  }
0x5b: {  	s15 =	rddreg [dreg:$0x10]  }
0x5c: {  	s30 =	rddreg [dreg:$0xe]  }
0x5d: {  	s31 =	rddreg [dreg:$0x6]  }
0x5e: {  	s18 =	rddreg [dreg:$0x8]  }
0x5f: {  	s19 =	rddreg [dreg:$0x5]  }
0x60: {  	s20 =	rddreg [dreg:$0x4]  }
0x61: {  	s21 =	rddreg [dreg:$0x7];
	[sflag:s7] =	ssyncset.done $0x0  }
0x62: {  	s22 =	rddreg [dreg:$0xd];
	[sflag:s7] =	ssyncadd.s32 $0xFFFFEE00;
	s20 =	sadd.s32 $0x0, s20  }
0x63: {  	[hbm4b:s20+s2] =	stream.linear.scatter [tilespmem:s19], [sflag:$0x2], $0xC800, $0x38;
	[tilespmem:$0x19640] =	vst v63  }
0x64: {  	s23 =	rddreg [dreg:$0xc]  }
0x65: {  	[tilespmem:s9], [sflag:$0x1] =	stream.indirect.gather [hbm4b:s3+s8], $0x40, s31, s8, $0xb8;
	[tilespmem:$0x19640] =	vst v63  }
0x66: {  	s24 =	rddreg [dreg:$0xa]  }
0x67: {  	[tilespmem:s18], [sflag:$0x1] =	stream.indirect.gather [hbm4b:s3+s10], $0x40, s21, s10, $0xb8;
	[tilespmem:$0x19640] =	vst v63  }
0x68: {  	s25 =	rddreg [dreg:$0x9]  }
0x69: {  	[tilespmem:s24], [sflag:$0x1] =	stream.indirect.gather [hbm4b:s3+s8], $0x40, s25, s8, $0xb8;
	[tilespmem:$0x19640] =	vst v63  }
0x6a: {  	s26 =	rddreg [dreg:$0xb]  }
0x6b: {  	[tilespmem:s23], [sflag:$0x1] =	stream.indirect.gather [hbm4b:s3+s10], $0x40, s26, s10, $0xb8;
	[tilespmem:$0x19640] =	vst v63  }
0x6c: {  	s28 =	rddreg [dreg:$0x14]  }
0x6d: {  	[tilespmem:s30], [sflag:$0x1] =	stream.indirect.gather [hbm4b:s3+s8], $0x40, s22, s8, $0xb8;
	[tilespmem:$0x19640] =	vst v63  }
0x6e: {  	s29 =	rddreg [dreg:$0xf]  }
0x6f: {  	[tilespmem:s15], [sflag:$0x1] =	stream.indirect.gather [hbm4b:s3+s10], $0x40, s29, s10, $0xb8;
	[tilespmem:$0x19640] =	vst v63  }
0x70: {  	s30 =	rddreg [dreg:$0x11]  }
0x71: {  	[tilespmem:s14], [sflag:$0x1] =	stream.indirect.gather [hbm4b:s3+s8], $0x40, s30, s8, $0xb8;
	[tilespmem:$0x19640] =	vst v63  }
0x72: {  	s31 =	rddreg [dreg:$0x13]  }
0x73: {  	[tilespmem:s28], [sflag:$0x1] =	stream.indirect.gather [hbm4b:s3+s10], $0x40, s31, s10, $0xb8;
	[tilespmem:$0x19640] =	vst v63  }
0x74: {  	_ =	swait.ge [sflag:s7], $0x2000  }
0x75: {  	[sflag:s7] =	ssyncset.done $0x0  }
0x76: {  	[sflag:s7] =	ssyncadd.s32 $0xFFFFE000  }
0x77: {  	_ =	swait.ge [sflag:s7], $0x1200  }
0x78: {  	[sflag:s7] =	ssyncset.done $0x0  }
0x79: {  	[sflag:s7] =	ssyncadd.s32 $0xFFFFEE00  }
0x7a: {  	_ =	swait.ge [sflag:s7], $0x2000  }
0x7b: {  	[sflag:s7] =	ssyncset.done $0x0  }
0x7c: {  	[sflag:s7] =	ssyncadd.s32 $0xFFFFE000  }
0x7d: {  	_ =	swait.ge [sflag:s7], $0x1200  }
0x7e: {  	[sflag:s7] =	ssyncset.done $0x0  }
0x7f: {  	[sflag:s7] =	ssyncadd.s32 $0xFFFFEE00  }
0x80: {  	_ =	swait.ge [sflag:s7], $0x2000  }
0x81: {  	[sflag:s7] =	ssyncset.done $0x0  }
0x82: {  	[sflag:s7] =	ssyncadd.s32 $0xFFFFE000  }
0x83: {  	_ =	swait.ge [sflag:s7], $0x1200  }
0x84: {  	s16 =	smov.u32 s5;
	[sflag:s7] =	ssyncset.done $0x0  }
0x85: {  	s15 =	simm.s32 $0x3200;
	s14 =	simm.s32 $0x0;
	[sflag:s7] =	ssyncadd.s32 $0xFFFFEE00  }
.LBB2_2:
0x86: {  	_ =	swait.ge [sflag:s7], $0x2000  }
0x87: {  	[sflag:s7] =	ssyncset.done $0x0  }
0x88: {  	[sflag:s7] =	ssyncadd.s32 $0xFFFFE000  }
0x89: {  	_ =	swait.ge [sflag:s7], $0x1200  }
0x8a: {  	[sflag:s7] =	ssyncset.done $0x0;
	s18 =	rddreg [dreg:$0x3]  }
0x8b: {  	s17 =	smov.u32 s15;
	[sflag:s7] =	ssyncadd.s32 $0xFFFFEE00;
	s18 =	sadd.s32 s14, s18  }
0x8c: {  	[hbm4b:s18+s2] =	stream.linear.scatter [tilespmem:s9], [sflag:$0x3], $0xC800, $0x38;
	[tilespmem:$0x19640] =	vst v63  }
0x8d: {  	s16 =	sadd.s32 $0xC8, s16;
	s14 =	smov.u32 s17  }
0x8e: {  	[tilespmem:s2], [sflag:$0x4] =	stream.linear.gather [hbm4b:s16+s2], $0x640, $0x38;
	[tilespmem:$0x19640] =	vst v63  }
0x8f: {  	p1 =	seq.s32 s14, $0x0;
	_ =	swait.ge [sflag:s6], $0x640  }
0x90: {  	s17 =	simm.s32 @p1 $0x80;
	[sflag:s6] =	ssyncset.done $0x0  }
0x91: {  	s18 =	simm.s32 @p1 $0x0;
	s19 =	simm.s32 @p1 $0x640;
	[sflag:s6] =	ssyncadd.s32 $0xFFFFF9C0  }
0x92: {  	[tilespmem:s19], [sflag:$0x1] =	stream.indirect.gather @p1 [hbm4b:s3+s17], $0x40, s18, s17, $0xb8;
	[tilespmem:$0x19640] =	vst v63  }
0x93: {  	s18 =	simm.s32 @p1 $0x48;
	s19 =	simm.s32 @p1 $0x2640  }
0x94: {  	[tilespmem:s19], [sflag:$0x1] =	stream.indirect.gather @p1 [hbm4b:s3+s18], $0x40, s17, s18, $0xb8;
	[tilespmem:$0x19640] =	vst v63  }
0x95: {  	s20 =	simm.s32 @p1 $0x3840;
	s19 =	simm.s32 @p1 $0xC8  }
0x96: {  	[tilespmem:s20], [sflag:$0x1] =	stream.indirect.gather @p1 [hbm4b:s3+s17], $0x40, s19, s17, $0xb8;
	[tilespmem:$0x19640] =	vst v63  }
0x97: {  	s19 =	simm.s32 @p1 $0x148;
	s20 =	simm.s32 @p1 $0x5840  }
0x98: {  	[tilespmem:s20], [sflag:$0x1] =	stream.indirect.gather @p1 [hbm4b:s3+s18], $0x40, s19, s18, $0xb8;
	[tilespmem:$0x19640] =	vst v63  }
0x99: {  	s19 =	simm.s32 @p1 $0x190;
	s20 =	simm.s32 @p1 $0x6A40  }
0x9a: {  	[tilespmem:s20], [sflag:$0x1] =	stream.indirect.gather @p1 [hbm4b:s3+s17], $0x40, s19, s17, $0xb8;
	[tilespmem:$0x19640] =	vst v63  }
0x9b: {  	s19 =	simm.s32 @p1 $0x210;
	s20 =	simm.s32 @p1 $0x8A40  }
0x9c: {  	[tilespmem:s20], [sflag:$0x1] =	stream.indirect.gather @p1 [hbm4b:s3+s18], $0x40, s19, s18, $0xb8;
	[tilespmem:$0x19640] =	vst v63  }
0x9d: {  	s19 =	simm.s32 @p1 $0x258;
	s20 =	simm.s32 @p1 $0x9C40  }
0x9e: {  	[tilespmem:s20], [sflag:$0x1] =	stream.indirect.gather @p1 [hbm4b:s3+s17], $0x40, s19, s17, $0xb8;
	[tilespmem:$0x19640] =	vst v63  }
0x9f: {  	s17 =	simm.s32 @p1 $0x2D8;
	s19 =	simm.s32 @p1 $0xBC40;
	s20 =	simm.s32 @!p1 $0x2  }
0xa0: {  	[tilespmem:s19], [sflag:$0x1] =	stream.indirect.gather @p1 [hbm4b:s3+s18], $0x40, s17, s18, $0xb8;
	[tilespmem:$0x19640] =	vst v63  }
0xa1: {  	_ =	swait.ge @!p1 [sflag:s20], $0xC800  }
0xa2: {  	s17 =	simm.s32 @!p1 $0x640;
	[sflag:s20] =	ssyncset.done @!p1 $0x0  }
0xa3: {  	s18 =	simm.s32 @!p1 $0x80;
	s19 =	simm.s32 @!p1 $0x0;
	[sflag:s20] =	ssyncadd.s32 @!p1 $0xFFFF3800  }
0xa4: {  	[tilespmem:s17], [sflag:$0x1] =	stream.indirect.gather @!p1 [hbm4b:s3+s18], $0x40, s19, s18, $0xb8;
	[tilespmem:$0x19640] =	vst v63  }
0xa5: {  	s17 =	simm.s32 @!p1 $0x48;
	s19 =	simm.s32 @!p1 $0x2640  }
0xa6: {  	[tilespmem:s19], [sflag:$0x1] =	stream.indirect.gather @!p1 [hbm4b:s3+s17], $0x40, s18, s17, $0xb8;
	[tilespmem:$0x19640] =	vst v63  }
0xa7: {  	s20 =	simm.s32 @!p1 $0x3840;
	s19 =	simm.s32 @!p1 $0xC8  }
0xa8: {  	[tilespmem:s20], [sflag:$0x1] =	stream.indirect.gather @!p1 [hbm4b:s3+s18], $0x40, s19, s18, $0xb8;
	[tilespmem:$0x19640] =	vst v63  }
0xa9: {  	s19 =	simm.s32 @!p1 $0x148;
	s20 =	simm.s32 @!p1 $0x5840  }
0xaa: {  	[tilespmem:s20], [sflag:$0x1] =	stream.indirect.gather @!p1 [hbm4b:s3+s17], $0x40, s19, s17, $0xb8;
	[tilespmem:$0x19640] =	vst v63  }
0xab: {  	s19 =	simm.s32 @!p1 $0x190;
	s20 =	simm.s32 @!p1 $0x6A40  }
0xac: {  	[tilespmem:s20], [sflag:$0x1] =	stream.indirect.gather @!p1 [hbm4b:s3+s18], $0x40, s19, s18, $0xb8;
	[tilespmem:$0x19640] =	vst v63  }
0xad: {  	s19 =	simm.s32 @!p1 $0x210;
	s20 =	simm.s32 @!p1 $0x8A40  }
0xae: {  	[tilespmem:s20], [sflag:$0x1] =	stream.indirect.gather @!p1 [hbm4b:s3+s17], $0x40, s19, s17, $0xb8;
	[tilespmem:$0x19640] =	vst v63  }
0xaf: {  	s19 =	simm.s32 @!p1 $0x258;
	s20 =	simm.s32 @!p1 $0x9C40  }
0xb0: {  	[tilespmem:s20], [sflag:$0x1] =	stream.indirect.gather @!p1 [hbm4b:s3+s18], $0x40, s19, s18, $0xb8;
	[tilespmem:$0x19640] =	vst v63  }
0xb1: {  	s18 =	simm.s32 @!p1 $0x2D8;
	s19 =	simm.s32 @!p1 $0xBC40;
	s20 =	simm.s32 @!p1 $0x3  }
0xb2: {  	[tilespmem:s19], [sflag:$0x1] =	stream.indirect.gather @!p1 [hbm4b:s3+s17], $0x40, s18, s17, $0xb8;
	[tilespmem:$0x19640] =	vst v63  }
0xb3: {  	_ =	swait.ge @!p1 [sflag:s20], $0xC800  }
0xb4: {  	[sflag:s20] =	ssyncset.done @!p1 $0x0  }
0xb5: {  	[sflag:s20] =	ssyncadd.s32 @!p1 $0xFFFF3800  }
0xb6: {  	_ =	swait.ge [sflag:s7], $0x2000  }
0xb7: {  	[sflag:s7] =	ssyncset.done $0x0  }
0xb8: {  	[sflag:s7] =	ssyncadd.s32 $0xFFFFE000  }
0xb9: {  	_ =	swait.ge [sflag:s7], $0x1200  }
0xba: {  	[sflag:s7] =	ssyncset.done $0x0  }
0xbb: {  	[sflag:s7] =	ssyncadd.s32 $0xFFFFEE00  }
0xbc: {  	_ =	swait.ge [sflag:s7], $0x2000  }
0xbd: {  	[sflag:s7] =	ssyncset.done $0x0  }
0xbe: {  	[sflag:s7] =	ssyncadd.s32 $0xFFFFE000  }
0xbf: {  	_ =	swait.ge [sflag:s7], $0x1200  }
0xc0: {  	[sflag:s7] =	ssyncset.done $0x0  }
0xc1: {  	[sflag:s7] =	ssyncadd.s32 $0xFFFFEE00  }
0xc2: {  	_ =	swait.ge [sflag:s7], $0x2000  }
0xc3: {  	[sflag:s7] =	ssyncset.done $0x0  }
0xc4: {  	[sflag:s7] =	ssyncadd.s32 $0xFFFFE000  }
0xc5: {  	_ =	swait.ge [sflag:s7], $0x1200  }
0xc6: {  	[sflag:s7] =	ssyncset.done $0x0  }
0xc7: {  	[sflag:s7] =	ssyncadd.s32 $0xFFFFEE00  }
0xc8: {  	_ =	swait.ge [sflag:s7], $0x2000  }
0xc9: {  	[sflag:s7] =	ssyncset.done $0x0  }
0xca: {  	[sflag:s7] =	ssyncadd.s32 $0xFFFFE000  }
0xcb: {  	_ =	swait.ge [sflag:s7], $0x1200  }
0xcc: {  	s17 =	rddreg [dreg:$0x12]  }
0xcd: {  	s18 =	rddreg [dreg:$0x10]  }
0xce: {  	s19 =	rddreg [dreg:$0xe]  }
0xcf: {  	s30 =	rddreg [dreg:$0x6]  }
0xd0: {  	s21 =	rddreg [dreg:$0x8]  }
0xd1: {  	s22 =	rddreg [dreg:$0x5]  }
0xd2: {  	s23 =	rddreg [dreg:$0x4]  }
0xd3: {  	[sflag:s7] =	ssyncset.done $0x0;
	s24 =	rddreg [dreg:$0x7]  }
0xd4: {  	s25 =	rddreg [dreg:$0xd];
	[sflag:s7] =	ssyncadd.s32 $0xFFFFEE00;
	s23 =	sadd.s32 s14, s23  }
0xd5: {  	[hbm4b:s23+s2] =	stream.linear.scatter [tilespmem:s22], [sflag:$0x2], $0xC800, $0x38;
	[tilespmem:$0x19640] =	vst v63  }
0xd6: {  	s26 =	rddreg [dreg:$0xc]  }
0xd7: {  	[tilespmem:s9], [sflag:$0x1] =	stream.indirect.gather [hbm4b:s3+s8], $0x40, s30, s8, $0xb8;
	[tilespmem:$0x19640] =	vst v63  }
0xd8: {  	s31 =	rddreg [dreg:$0xa]  }
0xd9: {  	[tilespmem:s21], [sflag:$0x1] =	stream.indirect.gather [hbm4b:s3+s10], $0x40, s24, s10, $0xb8;
	[tilespmem:$0x19640] =	vst v63  }
0xda: {  	s23 =	rddreg [dreg:$0x9]  }
0xdb: {  	[tilespmem:s31], [sflag:$0x1] =	stream.indirect.gather [hbm4b:s3+s8], $0x40, s23, s8, $0xb8;
	[tilespmem:$0x19640] =	vst v63  }
0xdc: {  	s24 =	rddreg [dreg:$0xb]  }
0xdd: {  	[tilespmem:s26], [sflag:$0x1] =	stream.indirect.gather [hbm4b:s3+s10], $0x40, s24, s10, $0xb8;
	[tilespmem:$0x19640] =	vst v63  }
0xde: {  	s28 =	rddreg [dreg:$0x14]  }
0xdf: {  	[tilespmem:s19], [sflag:$0x1] =	stream.indirect.gather [hbm4b:s3+s8], $0x40, s25, s8, $0xb8;
	[tilespmem:$0x19640] =	vst v63  }
0xe0: {  	s29 =	rddreg [dreg:$0xf]  }
0xe1: {  	[tilespmem:s18], [sflag:$0x1] =	stream.indirect.gather [hbm4b:s3+s10], $0x40, s29, s10, $0xb8;
	[tilespmem:$0x19640] =	vst v63  }
0xe2: {  	s30 =	rddreg [dreg:$0x11]  }
0xe3: {  	[tilespmem:s17], [sflag:$0x1] =	stream.indirect.gather [hbm4b:s3+s8], $0x40, s30, s8, $0xb8;
	[tilespmem:$0x19640] =	vst v63  }
0xe4: {  	s31 =	rddreg [dreg:$0x13]  }
0xe5: {  	[tilespmem:s28], [sflag:$0x1] =	stream.indirect.gather [hbm4b:s3+s10], $0x40, s31, s10, $0xb8;
	[tilespmem:$0x19640] =	vst v63  }
0xe6: {  	_ =	swait.ge [sflag:s7], $0x2000  }
0xe7: {  	[sflag:s7] =	ssyncset.done $0x0  }
0xe8: {  	[sflag:s7] =	ssyncadd.s32 $0xFFFFE000  }
0xe9: {  	_ =	swait.ge [sflag:s7], $0x1200  }
0xea: {  	[sflag:s7] =	ssyncset.done $0x0  }
0xeb: {  	[sflag:s7] =	ssyncadd.s32 $0xFFFFEE00  }
0xec: {  	_ =	swait.ge [sflag:s7], $0x2000  }
0xed: {  	[sflag:s7] =	ssyncset.done $0x0  }
0xee: {  	[sflag:s7] =	ssyncadd.s32 $0xFFFFE000  }
0xef: {  	_ =	swait.ge [sflag:s7], $0x1200  }
0xf0: {  	[sflag:s7] =	ssyncset.done $0x0  }
0xf1: {  	s15 =	sadd.s32 $0x3200, s15;
	[sflag:s7] =	ssyncadd.s32 $0xFFFFEE00  }
0xf2: {  	p0 =	sne.s32 s15, $0x32000;
	_ =	swait.ge [sflag:s7], $0x2000  }
.Ltmp0:
0xf3: {  	[sflag:s7] =	ssyncset.done $0x0;
	(pc) =	sbr.rel @p0 .LBB2_2-.Ltmp0, $4  }
0xf4: {  	[sflag:s7] =	ssyncadd.s32 $0xFFFFE000  }
0xf5: {  	_ =	swait.ge [sflag:s7], $0x1200  }
0xf6: {  	[sflag:s7] =	ssyncset.done $0x0  }
0xf7: {  	[sflag:s7] =	ssyncadd.s32 $0xFFFFEE00  }
0xf8: {  	_ =	swait.ge [sflag:s7], $0x2000  }
0xf9: {  	[sflag:s7] =	ssyncset.done $0x0  }
0xfa: {  	[sflag:s7] =	ssyncadd.s32 $0xFFFFE000  }
0xfb: {  	_ =	swait.ge [sflag:s7], $0x1200  }
0xfc: {  	s15 =	rddreg [dreg:$0x3];
	[sflag:s7] =	ssyncset.done $0x0  }
0xfd: {  	s13 =	sadd.s32 $0x1, s13;
	[sflag:s7] =	ssyncadd.s32 $0xFFFFEE00;
	s14 =	sadd.s32 s14, s15  }
0xfe: {  	[hbm4b:s14+s2] =	stream.linear.scatter [tilespmem:s9], [sflag:$0x3], $0xC800, $0x38;
	[tilespmem:$0x19640] =	vst v63  }
0xff: {  	p0 =	sne.s32 s13, s4;
	_ =	swait.ge [sflag:s11], $0xC800  }
.Ltmp1:
0x100: {  	[sflag:s11] =	ssyncset.done $0x0;
	(pc) =	sbr.rel @p0 .LBB2_1-.Ltmp1, $4  }
0x101: {  	[sflag:s11] =	ssyncadd.s32 $0xFFFF3800  }
0x102: {  	_ =	swait.ge [sflag:s12], $0xC800  }
0x103: {  	[sflag:s12] =	ssyncset.done $0x0  }
0x104: {  	[sflag:s12] =	ssyncadd.s32 $0xFFFF3800  }
0x105: {  	_ =	sfence.sel $0x180000  }
0x106: {  	[bflag:$0x0] =	sbarrier.arrive $0xFFFF  }
0x107: {  	p0 =	sne.s32 s0, $0x0;
	_ =	strace $0x90000047  }
0x108: {  	s0 =	sadd.s32 @!p0 $0x100000, s1;
	[bflag:$0x2] =	sbarrier.arrive $0xFFFF  }
0x109: {  	[sflag:s0] =	ssyncadd.tile.s32 @!p0 $0x1;
	_ =	shalt  }
.Lfunc_end2:
_tile_overlayer_lowered:
.L_overlay_start_2:
0x10a: {  	(tag) =	ssettag $0x2  }
0x10b: {  	s0 =	rddreg [dreg:$0x0];
	s2 =	stileid.u32  }
0x10c: {  	s1 =	rddreg [dreg:$0x1];
	p0 =	sne.s32 s2, $0x0  }
0x10d: {  	s3 =	rddreg [dreg:$0x2];
	[bflag:$0x3] =	sbarrier.arrive $0xFFFF;
	s2 =	simm.s32 @!p0 $0x1C04  }
0x10e: {  	[timem:s3], [sflag:s2] =	dma.local @!p0 [hbm:s0], s1  }
0x10f: {  	s0 =	simm.s32 @!p0 $0x4  }
0x110: {  	_ =	swait.ge @!p0 [sflag:s0], s1  }
0x111: {  	s1 =	ssub.s32 @!p0 $0x0, s1;
	[sflag:s0] =	ssyncset.done @!p0 $0x0  }
0x112: {  	[sflag:s0] =	ssyncadd.s32 @!p0 s1  }
0x113: {  	[bflag:$0x3] =	sbarrier.arrive $0xFFFF  }
0x114: {  	_ =	shalt  }

// kernel: sparse-core-data-format-call.cloned.1.call-start
scs
called_computation_lowered:
.L_overlay_start_0:
0x0: {  	s2 =	sld [smem:$0x3FD9]  }
0x1: {  	s3 =	sld [smem:$0x3FFE];
	_ =	sdelay $0x1  }
0x2: {  	s1 =	srdreg.scid  }
0x3: {  	s0 =	sand.u32 $0x1, s1  }
0x4: {  	s18 =	sshll.u32 s0, $0xA;
	s2 =	sadd.s32 s3, s2  }
0x5: {  	s2 =	sadd.s32 s2, s18  }
0x6: {  	[smem:$0x3FC6] =	sst s2  }
0x7: {  	_ = 	snop  }
0x8: {  	s2 =	sld [smem:$0x3FD0];
	(tm) =	ssettm $0x1  }
0x9: {  	s19 =	sld [smem:$0x3FFB];
	_ =	sdelay $0x3  }
0xa: {  	_ =	strace s19  }
0xb: {  	s3 =	sld [smem:$0x3FFC];
	_ =	sdelay $0x3  }
0xc: {  	_ =	strace s3  }
0xd: {  	s3 =	sld [smem:$0x3FFD];
	_ =	sdelay $0x3  }
0xe: {  	_ =	strace s3  }
0xf: {  	_ =	strace $0x8FFFFFFF  }
0x10: {  	s20 =	sld [smem:$0x3FDB];
	_ =	sdelay $0x1  }
0x11: {  	s4 =	simm.s32 $_scs_section_size  }
0x12: {  	s5 =	simm.s32 $_size__tile_overlayer_lowered;
	s6 =	simm.s32 $_tile_overlayer_lowered  }
0x13: {  	s23 =	simm.s32 $0x1BFF;
	s22 =	sshll.u32 s6, $0x1;
	s3 =	sadd.s32 s4, s20  }
0x14: {  	s7 =	simm.s32 $0x0;
	s21 =	sshll.u32 s5, $0x1;
	s5 =	sadd.s32 s22, s3  }
0x15: {  	[timem:s7], [sflag:s23] =	dma.local [hbm:s5], s21  }
0x16: {  	_ =	swait.ge [sflag:s23], s21  }
0x17: {  	s4 =	ssub.s32 $0x0, s21;
	[sflag:s23] =	ssyncset.done $0x0  }
0x18: {  	[sflag:s23] =	ssyncadd.s32 s4;
	_ =	sdelay $0x1  }
0x19: {  	s24 =	simm.s32 $0x1B8B  }
0x1a: {  	_ =	swait.ge [sflag:s24], $0x1  }
0x1b: {  	[sflag:s24] =	ssyncset.done $0x0  }
0x1c: {  	s26 =	simm.s32 $0x1B8E;
	s25 =	sld [smem:$0x3FFE];
	[sflag:s24] =	ssyncadd.s32 $0xFFFFFFFF  }
0x1d: {  	s27 =	simm.s32 $execute0_lowered;
	[smem:$0x3FD2] =	sst s26  }
0x1e: {  	s5 =	sshll.u32 s27, $0x1;
	_ =	strace $0x80000049;
	[dreg:$0x1] =	wrdreg $0xFFFFFFFF  }
0x1f: {  	s28 =	simm.s32 $_size_execute0_lowered;
	s3 =	sadd.s32 s3, s5;
	[dreg:$0x0] =	wrdreg $0x0  }
0x20: {  	s5 =	sshll.u32 s28, $0x1;
	[dreg:$0x2] =	wrdreg s3  }
0x21: {  	[dreg:$0x3] =	wrdreg s5  }
0x22: {  	[dreg:$0x4] =	wrdreg $0xC0  }
0x23: {  	_ =	task [dreg:s7], $0x5FFFF  }
0x24: {  	[dreg:$0x1] =	wrdreg $0xFFFFFFFF  }
0x25: {  	[dreg:$0x0] =	wrdreg $0x60  }
0x26: {  	[dreg:$0x2] =	wrdreg s25  }
0x27: {  	[dreg:$0x3] =	wrdreg s2  }
0x28: {  	[dreg:$0x4] =	wrdreg $0x9  }
0x29: {  	_ =	task.clear_ibuf [dreg:s7], $0x5FFFF;
	_ =	strace $0x90000049  }
0x2a: {  	s29 =	simm.s32 $0x9;
	_ =	strace $0x8000004B  }
0x2b: {  	_ =	swait.ge [sflag:s29], $0x1  }
0x2c: {  	[sflag:s29] =	ssyncadd.s32 $0xFFFFFFFF  }
0x2d: {  	_ =	strace $0x9000004B  }
0x2e: {  	_ =	sfence  }
0x2f: {  	s30 =	sld [smem:$0x0];
	_ =	sdelay $0x2  }
0x30: {  	s31 =	sshll.u32 s1, $0xD;
	s1 =	sshrl.u32 s1, $0x2  }
0x31: {  	s3 =	sand.u32 $0x4000, s31;
	s1 =	sadd.s32 s1, s30  }
0x32: {  	s0 =	sor.u32 s3, s0;
	s1 =	sshll.u32 s1, $0x11  }
0x33: {  	s0 =	sor.u32 s1, s0  }
0x34: {  	s0 =	sadd.s32 $0x8F2B, s0  }
0x35: {  	[sflag:s0] =	ssyncadd.remote.s32 $0x1  }
0x36: {  	_ =	sfence.sel $0xFFFF  }
0x37: {  	[dreg:$0x0] =	wrdreg $0xFFFFFFFF;
	(pc) =	sbr.abs _section_cstart, $3  }
0x38: {  	[dreg:$0x1] =	wrdreg $0xFFFFFFFF  }
0x39: {  	_ =	task.clear_ibuf [dreg:s7], $0x2FFFF;
	_ =	strace $0x9FFFFFFF  }
0x3a: {  	(tm) =	ssettm $0x7FFFFFFF  }
0x3b: {  	_ =	shalt  }
tec
execute0_lowered:
.L_overlay_start_1:
0x0: {  	(tag) =	ssettag $0x1  }
0x1: {  	s0 =	srdreg.scid  }
0x2: {  	s1 =	sshll.u32 s0, $0x4  }
0x3: {  	s0 =	stileid.u32;
	s1 =	sand.u32 $0x10, s1  }
0x4: {  	s1 =	sor.u32 s0, s1  }
0x5: {  	s6 =	rddreg [dreg:$0x0];
	s4 =	simm.s32 $0x1;
	s2 =	sshll.u32 s1, $0x7  }
0x6: {  	s7 =	simm.s32 $0x2;
	s12 =	simm.s32 $0x0;
	s1 =	ssub.s32 $0x1000, s2  }
0x7: {  	s8 =	simm.s32 $0x8000;
	s13 =	simm.s32 $0x0;
	s3 =	sand.u32 $0xF80, s1  }
0x8: {  	s9 =	simm.s32 $0x0;
	s5 =	sshrl.u32 s1, $0xC;
	p0 =	sne.s32 s3, $0x0  }
.Ltmp0:
0x9: {  	s1 =	rddreg [dreg:$0x2];
	s4 =	simm.s32 @!p0 $0x0;
	(pc) =	sbr.rel .LBB1_1-.Ltmp0, $4  }
0xa: {  	s11 =	simm.s32 $0x0;
	s3 =	rddreg [dreg:$0x1];
	s5 =	sadd.s32 s4, s5  }
0xb: {  	_ =	strace $0x8000004A;
	s4 =	simm.s32 $0x1;
	s5 =	smul.u32 $0xC8, s5  }
0xc: {  	s6 =	sadd.s32 $0xA00, s6;
	s10 =	smov.u32 s2;
	[sflag:s4] =	ssyncpa.u1 $0x0  }
0xd: {  	p0 =	por $0x0, $0x0;
	[sflag:s7] =	ssyncpa.u1 $0x0;
	s7 =	sor.u32 $0x1, s5  }
.LBB1_4:
0xe: {  	s16 =	sshll.u32 s13, $0x3;
	s17 =	sand.u32 $0x78, s13  }
0xf: {  	s30 =	sand.u32 $0x7E00, s13;
	s12 =	sshll.u32 s12, $0xF;
	s16 =	sand.u32 $0xC00, s16  }
0x10: {  	[tilespmem:s15+$0x810 ss:$0x81] =	vst.msk $0xffff, v2;
	s31 =	sand.u32 $0x7, s13;
	s16 =	sor.u32 s17, s16;
	s17 =	sadd.s32 s3, s30  }
0x11: {  	[tilespmem:s15+$0x1020 ss:$0x81] =	vst.msk $0xffff, v0;
	s13 =	sshll.u32 s31, $0x12;
	s12 =	sadd.s32 s12, s17;
	s16 =	sshrl.u32 s16, $0x3  }
0x12: {  	[tilespmem:s15+$0x0 ss:$0x81] =	vst.msk $0xffff, v1;
	s13 =	sor.u32 $0x400, s13;
	s12 =	sadd.s32 s16, s12  }
0x13: {  	[hbm4b:s12+s13] =	stream.strided.scatter [tilespmem:s14], [sflag:$0x2], $0x2000, s8, s13, $0x20;
	[tilespmem:$0x8080] =	vst v63  }
.LBB1_5:
0x14: {  	s14 =	sadd.s32 $0x1, s9  }
0x15: {  	s12 =	sadd.s32 $0x1000, s10;
	s16 =	smov.u32 s10;
	p2 =	sgt.s32 s14, $0xC7  }
0x16: {  	s16 =	smov.u32 @p2 s12  }
0x17: {  	s14 =	simm.s32 @p2 $0x0;
	p2 =	sgt.s32 s16, $0xFFF  }
0x18: {  	s16 =	smov.u32 @p2 s2;
	p2 =	sne.s32 s11, s7  }
.Ltmp1:
0x19: {  	p1 =	slt.u32 s11, $0x2;
	(pc) =	sbr.rel @!p2 .LBB1_6-.Ltmp1, $4  }
0x1a: {  	s15 =	simm.s32 @!p1 $0x2  }
0x1b: {  	s13 =	smov.u32 s10;
	p0 =	por !p0, !p0;
	_ =	swait.ge @!p1 [sflag:s15], $0x2000  }
0x1c: {  	s12 =	smov.u32 s9;
	[sflag:s15] =	ssyncset.done @!p1 $0x0;
	s9 =	smov.u32 s14  }
0x1d: {  	s11 =	sadd.s32 $0x1, s11;
	[sflag:s15] =	ssyncadd.s32 @!p1 $0xFFFFE000;
	s10 =	smov.u32 s16  }
.LBB1_1:
0x1e: {  	p1 =	sge.u32 s11, s5  }
0x1f: {  	s14 =	sand.u32 @!p1 $0x1FFFFFF, s9  }
0x20: {  	s15 =	smulhi.u32 @!p1 $0x147AE15, s14;
	_ =	sdelay $0x1  }
0x21: {  	s15 =	smul.u32 @!p1 $0xC8, s15  }
0x22: {  	s16 =	sxor.u32 @!p1 $0xFFFFFFFF, s11;
	s17 =	smul.u32 @!p1 $0xC80, s10  }
0x23: {  	s31 =	sadd.s32 $0xFFFFFFFF, s11;
	s16 =	sshll.u32 @!p1 s16, $0xD;
	s14 =	ssub.s32 @!p1 s14, s15  }
0x24: {  	s15 =	sand.u32 @!p1 $0x2000, s16;
	s16 =	sadd.s32 @!p1 s6, s17;
	s14 =	sshll.u32 @!p1 s14, $0x4  }
0x25: {  	s17 =	simm.s32 @!p1 $0x6400;
	s14 =	sadd.s32 @!p1 s14, s16;
	s16 =	simm.s32 @!p1 $0x40  }
0x26: {  	[tilespmem:s15], [sflag:$0x1] =	stream.strided.gather @!p1 [hbm4b:s14+s16], $0x2000, s17, s16, $0x38;
	[tilespmem:$0x8080] =	vst v63  }
0x27: {  	p1 =	sge.u32 s31, s5  }
.Ltmp2:
0x28: {  	_ = 	snop;
	(pc) =	sbr.rel @p1 .LBB1_5-.Ltmp2, $1  }
0x29: {  	_ =	sdelay $0x3  }
0x2a: {  	s14 =	simm.s32 $0x1  }
0x2b: {  	_ =	swait.ge [sflag:s4], $0x2000;
	s14 =	simm.s32 @!p0 $0x0  }
0x2c: {  	[sflag:s4] =	ssyncset.done $0x0;
	s15 =	sshll.u32 s14, $0xD  }
0x2d: {  	[sflag:s4] =	ssyncadd.s32 $0xFFFFE000;
	s18 =	sor.u32 $0x20, s15  }
0x2e: {  	s14 =	smul.u32 $0x8100, s14;
	v3 =	vld [tilespmem:s18+$0x10]  }
0x2f: {  	s30 =	sand.u32 $0x1, s11;
	v2 =	vld [tilespmem:s18+$0xFFFFFFF0]  }
0x30: {  	s15 =	smul.u32 $0x8100, s30;
	s14 =	sshrl.u32 s14, $0x2;
	v0 =	vld [tilespmem:s18+$0x0]  }
0x31: {  	v1 =	vld [tilespmem:s18+$0xFFFFFFE0];
	s16 =	sor.u32 $0x4000, s14  }
0x32: {  	s31 =	sshrl.u32 s15, $0x2;
	s15 =	sadd.s32 $0x0, s16  }
0x33: {  	s17 =	simm.s32 $0x4;
	s18 =	sadd.s32 $0x40, s18;
	s14 =	sor.u32 $0x4000, s31;
	[tilespmem:s15+$0x1830 ss:$0x81] =	vst.msk $0xffff, v3  }
.LBB1_3:
0x34: {  	v3 =	vld [tilespmem:s18+$0x10];
	p1 =	sne.s32 s17, $0x1FC;
	[tilespmem:s15+$0x810 ss:$0x81] =	vst.msk $0xffff, v2;
	s19 =	smov.u32 s17;
	s17 =	sadd.s32 $0x4, s17  }
.Ltmp3:
0x35: {  	v2 =	vld [tilespmem:s18+$0xFFFFFFF0];
	[tilespmem:s15+$0x1020 ss:$0x81] =	vst.msk $0xffff, v0;
	(pc) =	sbr.rel @p1 .LBB1_3-.Ltmp3, $4  }
0x36: {  	v0 =	vld [tilespmem:s18+$0x0];
	[tilespmem:s15+$0x0 ss:$0x81] =	vst.msk $0xffff, v1  }
0x37: {  	s15 =	sshra.s32 s19, $0x2;
	v1 =	vld [tilespmem:s18+$0xFFFFFFE0]  }
0x38: {  	s15 =	sadd.s32 s15, s16  }
0x39: {  	s18 =	sadd.s32 $0x40, s18;
	[tilespmem:s15+$0x1830 ss:$0x81] =	vst.msk $0xffff, v3  }
.Ltmp4:
0x3a: {  	_ = 	snop;
	(pc) =	sbr.rel .LBB1_4-.Ltmp4, $1  }
0x3b: {  	_ =	sdelay $0x3  }
.LBB1_6:
0x3c: {  	_ =	sfence.sel $0x180000  }
0x3d: {  	s2 =	simm.s32 $0x1;
	[bflag:$0x0] =	sbarrier.arrive $0xFFFF  }
0x3e: {  	s31 =	simm.s32 $0x2;
	[sflag:s2] =	ssyncpa.u1 $0x1  }
0x3f: {  	[sflag:s31] =	ssyncpa.u1 $0x1  }
0x40: {  	p0 =	sne.s32 s0, $0x0;
	_ =	strace $0x9000004A  }
0x41: {  	s0 =	sadd.s32 @!p0 $0x100000, s1;
	[bflag:$0x2] =	sbarrier.arrive $0xFFFF  }
0x42: {  	[sflag:s0] =	ssyncadd.tile.s32 @!p0 $0x1;
	_ =	shalt  }
.Lfunc_end1:
_tile_overlayer_lowered:
.L_overlay_start_2:
0x43: {  	(tag) =	ssettag $0x2  }
0x44: {  	s0 =	rddreg [dreg:$0x0];
	s2 =	stileid.u32  }
0x45: {  	s1 =	rddreg [dreg:$0x1];
	p0 =	sne.s32 s2, $0x0  }
0x46: {  	s3 =	rddreg [dreg:$0x2];
	[bflag:$0x3] =	sbarrier.arrive $0xFFFF;
	s2 =	simm.s32 @!p0 $0x1C01  }
0x47: {  	[timem:s3], [sflag:s2] =	dma.local @!p0 [hbm:s0], s1  }
0x48: {  	s0 =	simm.s32 @!p0 $0x1  }
0x49: {  	_ =	swait.ge @!p0 [sflag:s0], s1  }
0x4a: {  	s1 =	ssub.s32 @!p0 $0x0, s1;
	[sflag:s0] =	ssyncset.done @!p0 $0x0  }
0x4b: {  	[sflag:s0] =	ssyncadd.s32 @!p0 s1  }
0x4c: {  	[bflag:$0x3] =	sbarrier.arrive $0xFFFF  }
0x4d: {  	_ =	shalt  }

</sc_bundles>
